<compile_context>
chip_gen: v7x
topology: tpu7x:2x2x1
jax: 0.10.2.dev20260603
libtpu: 0.0.44.dev20260713+nightly
codegen_flags: <defaults>
</compile_context>

<pallas_src>
import functools

import jax
import jax.numpy as jnp
from jax import lax
from jax.experimental import pallas as pl
from jax.experimental.pallas import tpu as pltpu
from jax.experimental.pallas import tpu_sc as plsc

LJ_SIGMA = 0.01
LJ_EPSILON = 1.0
N_NODES = 50000
N_EDGES = 1600000

NC, NS, L = 2, 16, 16
NW = NC * NS
NPAD = 50176
SLICE = NPAD // NS
CHUNK = 2000
N_CHUNKS = 25
E_PER_W = CHUNK * N_CHUNKS

_mesh = plsc.VectorSubcoreMesh(core_axis_name="c", subcore_axis_name="s")


@functools.partial(
    pl.kernel,
    out_type=jax.ShapeDtypeStruct((NC * NPAD,), jnp.float32),
    mesh=_mesh,
    compiler_params=pltpu.CompilerParams(
        needs_layout_passes=False, use_tc_tiling_on_sc=False),
    scratch_types=[
        pltpu.VMEM((1, CHUNK), jnp.int32),
        pltpu.VMEM((1, CHUNK), jnp.int32),
        pltpu.VMEM((1, CHUNK), jnp.int32),
        pltpu.VMEM((1, CHUNK), jnp.int32),
        pltpu.VMEM((CHUNK,), jnp.float32),
        pltpu.VMEM((CHUNK,), jnp.float32),
        pltpu.VMEM((CHUNK,), jnp.float32),
        pltpu.VMEM((CHUNK,), jnp.float32),
        pltpu.VMEM((N_NODES,), jnp.float32),
        pltpu.VMEM((N_NODES,), jnp.float32),
        pltpu.VMEM((CHUNK,), jnp.float32),
        pltpu.VMEM((CHUNK,), jnp.float32),
        pltpu.VMEM((SLICE,), jnp.float32),
        pltpu.VMEM_SHARED((NPAD,), jnp.float32),
        pltpu.VMEM_SHARED((N_NODES,), jnp.float32),
        pltpu.SemaphoreType.DMA,
        pltpu.SemaphoreType.DMA,
        pltpu.SemaphoreType.DMA,
        pltpu.SemaphoreType.DMA,
        pltpu.SemaphoreType.DMA,
        pltpu.SemaphoreType.DMA,
    ],
)
def _lj_sc(posT, eidx, out, si0, si1, di0, di1, sr0, sr1, dr0, dr1,
           xtab, ytab, en0, en1, stage_v, acc_sh, z_sh, smi0, smi1,
           smg0, smg1, sms0, sms1):
    c = lax.axis_index("c")
    s = lax.axis_index("s")
    wid = c * NS + s

    si_v = (si0, si1)
    di_v = (di0, di1)
    sr_v = (sr0, sr1)
    dr_v = (dr0, dr1)
    en_v = (en0, en1)
    smi = (smi0, smi1)
    smg = (smg0, smg1)
    sms = (sms0, sms1)

    zero16 = jnp.zeros((L,), jnp.float32)

    def _zero(i, carry):
        stage_v[pl.ds(i * L, L)] = zero16
        return carry

    lax.fori_loop(0, SLICE // L, _zero, 0)
    pltpu.sync_copy(stage_v, acc_sh.at[pl.ds(s * SLICE, SLICE)])

    pltpu.sync_copy(posT.at[0], xtab)
    pltpu.sync_copy(posT.at[1], ytab)

    @pl.when(s == 0)
    def _():
        pltpu.sync_copy(posT.at[2], z_sh)

    plsc.subcore_barrier()

    iota = lax.iota(jnp.int32, L)
    col0 = jnp.zeros((L,), jnp.int32)
    col1 = jnp.full((L,), 1, jnp.int32)
    col2 = jnp.full((L,), 2, jnp.int32)
    sig2 = jnp.full((L,), LJ_SIGMA * LJ_SIGMA, jnp.float32)
    two_eps = jnp.full((L,), 2.0 * LJ_EPSILON, jnp.float32)

    base_e = wid * E_PER_W

    def idx_copies(ci, b):
        off = base_e + ci * CHUNK
        return [
            pltpu.make_async_copy(
                eidx.at[pl.ds(off, CHUNK)], si_v[b].at[0], smi[b]),
            pltpu.make_async_copy(
                eidx.at[pl.ds(N_EDGES + off, CHUNK)], di_v[b].at[0],
                smi[b]),
        ]

    def gather_copies(b):
        return [
            pltpu.make_async_copy(z_sh.at[si_v[b].at[0]], sr_v[b], smg[b]),
            pltpu.make_async_copy(z_sh.at[di_v[b].at[0]], dr_v[b], smg[b]),
        ]

    def start_scatter(b):
        pltpu.async_copy(en_v[b], acc_sh.at[si_v[b].at[0]], sms[b], add=True)

    def wait_scatter(b):
        pltpu.make_async_copy(en_v[b], acc_sh.at[si_v[b].at[0]],
                              sms[b]).wait()

    def prefetch(ci, b):
        icps = idx_copies(ci, b)
        for cp in icps:
            cp.start()
        for cp in icps:
            cp.wait()
        for cp in gather_copies(b):
            cp.start()

    def compute(b):
        @plsc.parallel_loop(0, CHUNK // L, unroll=4)
        def _group(g):
            si16 = si_v[b][0, pl.ds(g * L, L)]
            di16 = di_v[b][0, pl.ds(g * L, L)]
            xs = plsc.load_gather(xtab, [si16])
            ys = plsc.load_gather(ytab, [si16])
            zs = sr_v[b][pl.ds(g * L, L)]
            xd = plsc.load_gather(xtab, [di16])
            yd = plsc.load_gather(ytab, [di16])
            zd = dr_v[b][pl.ds(g * L, L)]
            dx = xd - xs
            dy = yd - ys
            dz = zd - zs
            r2 = dx * dx + dy * dy + dz * dz
            t = sig2 / r2
            t3 = t * t * t
            eng = two_eps * (t3 * t3 - t3)
            en_v[b][pl.ds(g * L, L)] = eng

    prefetch(0, 0)

    def _step(st, carry):
        for b in (0, 1):
            ci = st * 2 + b

            @pl.when(ci >= 1)
            def _():
                wait_scatter(1 - b)

            prefetch(ci + 1, 1 - b)
            for cp in gather_copies(b):
                cp.wait()
            compute(b)
            start_scatter(b)
        return carry

    lax.fori_loop(0, (N_CHUNKS - 1) // 2, _step, 0)

    wait_scatter(1)
    for cp in gather_copies(0):
        cp.wait()
    compute(0)
    start_scatter(0)
    wait_scatter(0)

    plsc.subcore_barrier()
    pltpu.sync_copy(acc_sh.at[pl.ds(s * SLICE, SLICE)], stage_v)
    pltpu.sync_copy(stage_v, out.at[pl.ds(c * NPAD + s * SLICE, SLICE)])


def kernel(pos, edge_index):
    eidx_flat = edge_index.reshape(-1)
    partial = _lj_sc(pos.T, eidx_flat)
    return (partial[:N_NODES] + partial[NPAD:NPAD + N_NODES]).reshape(
        N_NODES, 1)

# --- scband reference (transcript-rebuilt; emitter-appended) ---
"""Pipeline reference for scband-simple-lennard-jones-50697793962074 (READ-ONLY COPY).

The authoritative reference and input builder live on the scoring server;
editing this copy changes nothing except your own understanding.
"""

import jax, jax.numpy as jnp
import numpy as np

LJ_SIGMA = 0.01
LJ_EPSILON = 1.0
N_NODES = 50000
N_EDGES = 1600000


def setup_inputs(seed: int = 0) -> dict:
    key = jax.random.key(seed)
    k1, k2, k3 = jax.random.split(key, 3)
    pos = jax.random.normal(k1, (N_NODES, 3), dtype=jnp.float32)
    # edge_index: random source nodes; destination offset by nonzero amount to avoid
    # zero-length self-edges (which would produce inf in the LJ term).
    src = jax.random.randint(k2, (N_EDGES,), 0, N_NODES)
    off = jax.random.randint(k3, (N_EDGES,), 1, N_NODES)
    dst = (src + off) % N_NODES
    edge_index = jnp.stack([src, dst])
    return {"pos": pos, "edge_index": edge_index}


def reference(pos, edge_index):
    # with_edge_vectors_(data, with_lengths=True):
    #   edge_vec = pos[edge_index[1]] - pos[edge_index[0]]; edge_len = ||edge_vec||
    edge_center = edge_index[0]
    edge_vec = pos[edge_index[1]] - pos[edge_index[0]]
    edge_len = jnp.linalg.norm(edge_vec, axis=-1, keepdims=True)  # [E, 1]
    lj_eng = (LJ_SIGMA / edge_len) ** 6.0
    lj_eng = jnp.square(lj_eng) - lj_eng
    lj_eng = 2.0 * LJ_EPSILON * lj_eng
    # scatter(lj_eng, edge_center, dim=0, dim_size=num_nodes) -> sum-reduce per node
    atomic_eng = jnp.zeros((pos.shape[0], 1), dtype=lj_eng.dtype).at[edge_center].add(lj_eng)
    return atomic_eng

if __name__ == "__main__":
    import jax
    _d = setup_inputs()
    print(jax.jit(kernel)(*tuple(_d.values())))

</pallas_src>

<mosaic_0001>
#map = affine_map<(d0, d1) -> (0, 0)>
#map1 = affine_map<(d0, d1) -> (0)>
module attributes {stable_mosaic.version = 14 : i64} {
  func.func @_lj_sc(%arg0: i32, %arg1: i32, %arg2: memref<3x50000xf32, #tpu.memory_space<hbm>>, %arg3: memref<3200000xi32, #tpu.memory_space<hbm>>, %arg4: memref<100352xf32, #tpu.memory_space<hbm>>, %arg5: memref<1x2000xi32, #tpu.memory_space<vmem>>, %arg6: memref<1x2000xi32, #tpu.memory_space<vmem>>, %arg7: memref<1x2000xi32, #tpu.memory_space<vmem>>, %arg8: memref<1x2000xi32, #tpu.memory_space<vmem>>, %arg9: memref<2000xf32, #tpu.memory_space<vmem>>, %arg10: memref<2000xf32, #tpu.memory_space<vmem>>, %arg11: memref<2000xf32, #tpu.memory_space<vmem>>, %arg12: memref<2000xf32, #tpu.memory_space<vmem>>, %arg13: memref<50000xf32, #tpu.memory_space<vmem>>, %arg14: memref<50000xf32, #tpu.memory_space<vmem>>, %arg15: memref<2000xf32, #tpu.memory_space<vmem>>, %arg16: memref<2000xf32, #tpu.memory_space<vmem>>, %arg17: memref<3136xf32, #tpu.memory_space<vmem>>, %arg18: memref<50176xf32, #tpu.memory_space<vmem_shared>>, %arg19: memref<50000xf32, #tpu.memory_space<vmem_shared>>, %arg20: memref<!tpu.dma_semaphore, #tpu.memory_space<semaphore_mem>>, %arg21: memref<!tpu.dma_semaphore, #tpu.memory_space<semaphore_mem>>, %arg22: memref<!tpu.dma_semaphore, #tpu.memory_space<semaphore_mem>>, %arg23: memref<!tpu.dma_semaphore, #tpu.memory_space<semaphore_mem>>, %arg24: memref<!tpu.dma_semaphore, #tpu.memory_space<semaphore_mem>>, %arg25: memref<!tpu.dma_semaphore, #tpu.memory_space<semaphore_mem>>) attributes {dimension_semantics = [#tpu.dimension_semantics<core_parallel>, #tpu.dimension_semantics<subcore_parallel>], iteration_bounds = array<i64: 2, 16>, scalar_prefetch = 0 : i64, scratch_operands = 21 : i64, tpu.core_type = #tpu.core_type<sc_vector_subcore>, window_params = [{transform_indices = #map}, {transform_indices = #map1}, {transform_indices = #map1}]} {
    %mul3A = arith.constant 16 : i32
    %mul3A_0 = arith.muli %arg0, %mul3A : i32
    %add3A = arith.addi %mul3A_0, %arg1 : i32
    %broadcast_in_dim3A = arith.constant 0.000000e+00 : f32
    %broadcast_in_dim3A_1 = vector.broadcast %broadcast_in_dim3A : f32 to vector<16xf32>
    %scan3A = arith.constant 0 : i32
    %scan3A_2 = arith.constant 0 : i32
    %scan3A_3 = arith.constant 196 : i32
    %scan3A_4 = arith.addi %scan3A_2, %scan3A_3 : i32
    %scan3A_5 = arith.constant 1 : i32
    scf.for %scan3A_120 = %scan3A_2 to %scan3A_4 step %scan3A_5  : i32 {
      %mul3A_121 = arith.constant 16 : i32
      %mul3A_122 = arith.muli %scan3A_120, %mul3A_121 : i32
      %swap3A = arith.index_cast %mul3A_122 : i32 to index
      %swap3A_123 = tpu.vector_load %arg17[%swap3A] {strides = array<i32>} : memref<3136xf32, #tpu.memory_space<vmem>>, vector<16xf32>,
      tpu.vector_store %arg17[%swap3A], %broadcast_in_dim3A_1 {strides = array<i32>} : memref<3136xf32, #tpu.memory_space<vmem>>, vector<16xf32>,
    }
    %scan3A_6 = arith.constant 196 : i32
    %mul3A_7 = arith.constant 3136 : i32
    %mul3A_8 = arith.muli %arg1, %mul3A_7 : i32
    "tpu.region"() ({
      %run_scoped3A_120 = tpu.sem_alloc : memref<!tpu.dma_semaphore, #tpu.memory_space<semaphore_mem>>
      %dma_start3A_121 = tpu.memref_slice %arg18[%mul3A_8] : memref<50176xf32, #tpu.memory_space<vmem_shared>> -> memref<3136xf32, #tpu.memory_space<vmem_shared>>
      %dma_start3A_122 = tpu.memref_slice %arg18[%mul3A_8] : memref<50176xf32, #tpu.memory_space<vmem_shared>> -> memref<3136xf32, #tpu.memory_space<vmem_shared>>
      tpu.enqueue_dma source(%arg17 : memref<3136xf32, #tpu.memory_space<vmem>>) target(%dma_start3A_122 : memref<3136xf32, #tpu.memory_space<vmem_shared>>) target_semaphore(%run_scoped3A_120 : memref<!tpu.dma_semaphore, #tpu.memory_space<semaphore_mem>>)
      %dma_wait3A_123 = tpu.memref_slice %arg18[%mul3A_8] : memref<50176xf32, #tpu.memory_space<vmem_shared>> -> memref<3136xf32, #tpu.memory_space<vmem_shared>>
      %dma_wait3A_124 = tpu.memref_slice %arg18[%mul3A_8] : memref<50176xf32, #tpu.memory_space<vmem_shared>> -> memref<3136xf32, #tpu.memory_space<vmem_shared>>
      tpu.wait_dma2 semaphore(%run_scoped3A_120 : memref<!tpu.dma_semaphore, #tpu.memory_space<semaphore_mem>>) src(%arg17 : memref<3136xf32, #tpu.memory_space<vmem>>) dst(%dma_wait3A_124 : memref<3136xf32, #tpu.memory_space<vmem_shared>>)
      tpu.yield
    }) : () -> ()
    %run_scoped3A = arith.constant 0 : i32
    "tpu.region"() ({
      %run_scoped3A_120 = tpu.sem_alloc : memref<!tpu.dma_semaphore, #tpu.memory_space<semaphore_mem>>
      %dma_start3A_121 = arith.constant 0 : i32
      %dma_start3A_122 = tpu.memref_slice %arg2[%run_scoped3A, %dma_start3A_121] : memref<3x50000xf32, #tpu.memory_space<hbm>> -> memref<1x50000xf32, #tpu.memory_space<hbm>>
      %dma_start3A_123 = tpu.memref_squeeze %dma_start3A_122 : memref<1x50000xf32, #tpu.memory_space<hbm>> -> memref<50000xf32, #tpu.memory_space<hbm>>
      %dma_start3A_124 = arith.constant 0 : i32
      %dma_start3A_125 = tpu.memref_slice %arg2[%run_scoped3A, %dma_start3A_124] : memref<3x50000xf32, #tpu.memory_space<hbm>> -> memref<1x50000xf32, #tpu.memory_space<hbm>>
      %dma_start3A_126 = tpu.memref_squeeze %dma_start3A_125 : memref<1x50000xf32, #tpu.memory_space<hbm>> -> memref<50000xf32, #tpu.memory_space<hbm>>
      tpu.enqueue_dma source(%dma_start3A_126 : memref<50000xf32, #tpu.memory_space<hbm>>) target(%arg13 : memref<50000xf32, #tpu.memory_space<vmem>>) target_semaphore(%run_scoped3A_120 : memref<!tpu.dma_semaphore, #tpu.memory_space<semaphore_mem>>)
      %dma_wait3A_127 = arith.constant 0 : i32
      %dma_wait3A_128 = tpu.memref_slice %arg2[%run_scoped3A, %dma_wait3A_127] : memref<3x50000xf32, #tpu.memory_space<hbm>> -> memref<1x50000xf32, #tpu.memory_space<hbm>>
      %dma_wait3A_129 = tpu.memref_squeeze %dma_wait3A_128 : memref<1x50000xf32, #tpu.memory_space<hbm>> -> memref<50000xf32, #tpu.memory_space<hbm>>
      %dma_wait3A_130 = arith.constant 0 : i32
      %dma_wait3A_131 = tpu.memref_slice %arg2[%run_scoped3A, %dma_wait3A_130] : memref<3x50000xf32, #tpu.memory_space<hbm>> -> memref<1x50000xf32, #tpu.memory_space<hbm>>
      %dma_wait3A_132 = tpu.memref_squeeze %dma_wait3A_131 : memref<1x50000xf32, #tpu.memory_space<hbm>> -> memref<50000xf32, #tpu.memory_space<hbm>>
      tpu.wait_dma2 semaphore(%run_scoped3A_120 : memref<!tpu.dma_semaphore, #tpu.memory_space<semaphore_mem>>) src(%dma_wait3A_132 : memref<50000xf32, #tpu.memory_space<hbm>>) dst(%arg13 : memref<50000xf32, #tpu.memory_space<vmem>>)
      tpu.yield
    }) : () -> ()
    %run_scoped3A_9 = arith.constant 1 : i32
    "tpu.region"() ({
      %run_scoped3A_120 = tpu.sem_alloc : memref<!tpu.dma_semaphore, #tpu.memory_space<semaphore_mem>>
      %dma_start3A_121 = arith.constant 0 : i32
      %dma_start3A_122 = tpu.memref_slice %arg2[%run_scoped3A_9, %dma_start3A_121] : memref<3x50000xf32, #tpu.memory_space<hbm>> -> memref<1x50000xf32, #tpu.memory_space<hbm>>
      %dma_start3A_123 = tpu.memref_squeeze %dma_start3A_122 : memref<1x50000xf32, #tpu.memory_space<hbm>> -> memref<50000xf32, #tpu.memory_space<hbm>>
      %dma_start3A_124 = arith.constant 0 : i32
      %dma_start3A_125 = tpu.memref_slice %arg2[%run_scoped3A_9, %dma_start3A_124] : memref<3x50000xf32, #tpu.memory_space<hbm>> -> memref<1x50000xf32, #tpu.memory_space<hbm>>
      %dma_start3A_126 = tpu.memref_squeeze %dma_start3A_125 : memref<1x50000xf32, #tpu.memory_space<hbm>> -> memref<50000xf32, #tpu.memory_space<hbm>>
      tpu.enqueue_dma source(%dma_start3A_126 : memref<50000xf32, #tpu.memory_space<hbm>>) target(%arg14 : memref<50000xf32, #tpu.memory_space<vmem>>) target_semaphore(%run_scoped3A_120 : memref<!tpu.dma_semaphore, #tpu.memory_space<semaphore_mem>>)
      %dma_wait3A_127 = arith.constant 0 : i32
      %dma_wait3A_128 = tpu.memref_slice %arg2[%run_scoped3A_9, %dma_wait3A_127] : memref<3x50000xf32, #tpu.memory_space<hbm>> -> memref<1x50000xf32, #tpu.memory_space<hbm>>
      %dma_wait3A_129 = tpu.memref_squeeze %dma_wait3A_128 : memref<1x50000xf32, #tpu.memory_space<hbm>> -> memref<50000xf32, #tpu.memory_space<hbm>>
      %dma_wait3A_130 = arith.constant 0 : i32
      %dma_wait3A_131 = tpu.memref_slice %arg2[%run_scoped3A_9, %dma_wait3A_130] : memref<3x50000xf32, #tpu.memory_space<hbm>> -> memref<1x50000xf32, #tpu.memory_space<hbm>>
      %dma_wait3A_132 = tpu.memref_squeeze %dma_wait3A_131 : memref<1x50000xf32, #tpu.memory_space<hbm>> -> memref<50000xf32, #tpu.memory_space<hbm>>
      tpu.wait_dma2 semaphore(%run_scoped3A_120 : memref<!tpu.dma_semaphore, #tpu.memory_space<semaphore_mem>>) src(%dma_wait3A_132 : memref<50000xf32, #tpu.memory_space<hbm>>) dst(%arg14 : memref<50000xf32, #tpu.memory_space<vmem>>)
      tpu.yield
    }) : () -> ()
    %eq3A = arith.constant 0 : i32
    %eq3A_10 = arith.cmpi eq, %arg1, %eq3A : i32
    %convert_element_type3A = arith.extui %eq3A_10 : i1 to i32
    %cond3A = arith.constant 0 : i32
    %cond3A_11 = arith.cmpi ne, %convert_element_type3A, %cond3A : i32
    scf.if %cond3A_11 {
      %run_scoped3A_120 = arith.constant 2 : i32
      "tpu.region"() ({
        %run_scoped3A_121 = tpu.sem_alloc : memref<!tpu.dma_semaphore, #tpu.memory_space<semaphore_mem>>
        %dma_start3A_122 = arith.constant 0 : i32
        %dma_start3A_123 = tpu.memref_slice %arg2[%run_scoped3A_120, %dma_start3A_122] : memref<3x50000xf32, #tpu.memory_space<hbm>> -> memref<1x50000xf32, #tpu.memory_space<hbm>>
        %dma_start3A_124 = tpu.memref_squeeze %dma_start3A_123 : memref<1x50000xf32, #tpu.memory_space<hbm>> -> memref<50000xf32, #tpu.memory_space<hbm>>
        tpu.enqueue_dma source(%dma_start3A_124 : memref<50000xf32, #tpu.memory_space<hbm>>) target(%arg19 : memref<50000xf32, #tpu.memory_space<vmem_shared>>) target_semaphore(%run_scoped3A_121 : memref<!tpu.dma_semaphore, #tpu.memory_space<semaphore_mem>>)
        %dma_wait3A_125 = arith.constant 0 : i32
        %dma_wait3A_126 = tpu.memref_slice %arg2[%run_scoped3A_120, %dma_wait3A_125] : memref<3x50000xf32, #tpu.memory_space<hbm>> -> memref<1x50000xf32, #tpu.memory_space<hbm>>
        %dma_wait3A_127 = tpu.memref_squeeze %dma_wait3A_126 : memref<1x50000xf32, #tpu.memory_space<hbm>> -> memref<50000xf32, #tpu.memory_space<hbm>>
        tpu.wait_dma2 semaphore(%run_scoped3A_121 : memref<!tpu.dma_semaphore, #tpu.memory_space<semaphore_mem>>) src(%dma_wait3A_127 : memref<50000xf32, #tpu.memory_space<hbm>>) dst(%arg19 : memref<50000xf32, #tpu.memory_space<vmem_shared>>)
        tpu.yield
      }) : () -> ()
    } else {
    }
    %barrier3A = arith.constant 0 : index
    tpu.barrier barrier_id(%barrier3A)
    %iota3A = tpu.iota {dimensions = array<i32: 0>} : vector<16xi32>
    %broadcast_in_dim3A_12 = arith.constant 0 : i32
    %broadcast_in_dim3A_13 = vector.broadcast %broadcast_in_dim3A_12 : i32 to vector<16xi32>
    %broadcast_in_dim3A_14 = arith.constant 1 : i32
    %broadcast_in_dim3A_15 = vector.broadcast %broadcast_in_dim3A_14 : i32 to vector<16xi32>
    %broadcast_in_dim3A_16 = arith.constant 2 : i32
    %broadcast_in_dim3A_17 = vector.broadcast %broadcast_in_dim3A_16 : i32 to vector<16xi32>
    %broadcast_in_dim3A_18 = arith.constant 9.99999974E-5 : f32
    %broadcast_in_dim3A_19 = vector.broadcast %broadcast_in_dim3A_18 : f32 to vector<16xf32>
    %broadcast_in_dim3A_20 = arith.constant 2.000000e+00 : f32
    %broadcast_in_dim3A_21 = vector.broadcast %broadcast_in_dim3A_20 : f32 to vector<16xf32>
    %mul3A_22 = arith.constant 50000 : i32
    %mul3A_23 = arith.muli %add3A, %mul3A_22 : i32
    %add3A_24 = arith.constant 0 : i32
    %add3A_25 = arith.addi %mul3A_23, %add3A_24 : i32
    %add3A_26 = arith.constant 1600000 : i32
    %add3A_27 = arith.addi %add3A_26, %add3A_25 : i32
    %dma_start3A = arith.constant 0 : i32
    %dma_start3A_28 = arith.constant 0 : i32
    %dma_start3A_29 = tpu.memref_slice %arg5[%dma_start3A, %dma_start3A_28] : memref<1x2000xi32, #tpu.memory_space<vmem>> -> memref<1x2000xi32, #tpu.memory_space<vmem>>
    %dma_start3A_30 = tpu.memref_squeeze %dma_start3A_29 : memref<1x2000xi32, #tpu.memory_space<vmem>> -> memref<2000xi32, #tpu.memory_space<vmem>>
    %dma_start3A_31 = tpu.memref_slice %arg3[%add3A_25] : memref<3200000xi32, #tpu.memory_space<hbm>> -> memref<2000xi32, #tpu.memory_space<hbm>>
    %dma_start3A_32 = arith.constant 0 : i32
    %dma_start3A_33 = tpu.memref_slice %arg5[%dma_start3A, %dma_start3A_32] : memref<1x2000xi32, #tpu.memory_space<vmem>> -> memref<1x2000xi32, #tpu.memory_space<vmem>>
    %dma_start3A_34 = tpu.memref_squeeze %dma_start3A_33 : memref<1x2000xi32, #tpu.memory_space<vmem>> -> memref<2000xi32, #tpu.memory_space<vmem>>
    %dma_start3A_35 = tpu.memref_slice %arg3[%add3A_25] : memref<3200000xi32, #tpu.memory_space<hbm>> -> memref<2000xi32, #tpu.memory_space<hbm>>
    tpu.enqueue_dma source(%dma_start3A_35 : memref<2000xi32, #tpu.memory_space<hbm>>) target(%dma_start3A_34 : memref<2000xi32, #tpu.memory_space<vmem>>) target_semaphore(%arg20 : memref<!tpu.dma_semaphore, #tpu.memory_space<semaphore_mem>>)
    %dma_start3A_36 = arith.constant 0 : i32
    %dma_start3A_37 = arith.constant 0 : i32
    %dma_start3A_38 = tpu.memref_slice %arg7[%dma_start3A_36, %dma_start3A_37] : memref<1x2000xi32, #tpu.memory_space<vmem>> -> memref<1x2000xi32, #tpu.memory_space<vmem>>
    %dma_start3A_39 = tpu.memref_squeeze %dma_start3A_38 : memref<1x2000xi32, #tpu.memory_space<vmem>> -> memref<2000xi32, #tpu.memory_space<vmem>>
    %dma_start3A_40 = tpu.memref_slice %arg3[%add3A_27] : memref<3200000xi32, #tpu.memory_space<hbm>> -> memref<2000xi32, #tpu.memory_space<hbm>>
    %dma_start3A_41 = arith.constant 0 : i32
    %dma_start3A_42 = tpu.memref_slice %arg7[%dma_start3A_36, %dma_start3A_41] : memref<1x2000xi32, #tpu.memory_space<vmem>> -> memref<1x2000xi32, #tpu.memory_space<vmem>>
    %dma_start3A_43 = tpu.memref_squeeze %dma_start3A_42 : memref<1x2000xi32, #tpu.memory_space<vmem>> -> memref<2000xi32, #tpu.memory_space<vmem>>
    %dma_start3A_44 = tpu.memref_slice %arg3[%add3A_27] : memref<3200000xi32, #tpu.memory_space<hbm>> -> memref<2000xi32, #tpu.memory_space<hbm>>
    tpu.enqueue_dma source(%dma_start3A_44 : memref<2000xi32, #tpu.memory_space<hbm>>) target(%dma_start3A_43 : memref<2000xi32, #tpu.memory_space<vmem>>) target_semaphore(%arg20 : memref<!tpu.dma_semaphore, #tpu.memory_space<semaphore_mem>>)
    %dma_wait3A = arith.constant 0 : i32
    %dma_wait3A_45 = arith.constant 0 : i32
    %dma_wait3A_46 = tpu.memref_slice %arg5[%dma_wait3A, %dma_wait3A_45] : memref<1x2000xi32, #tpu.memory_space<vmem>> -> memref<1x2000xi32, #tpu.memory_space<vmem>>
    %dma_wait3A_47 = tpu.memref_squeeze %dma_wait3A_46 : memref<1x2000xi32, #tpu.memory_space<vmem>> -> memref<2000xi32, #tpu.memory_space<vmem>>
    %dma_wait3A_48 = tpu.memref_slice %arg3[%add3A_25] : memref<3200000xi32, #tpu.memory_space<hbm>> -> memref<2000xi32, #tpu.memory_space<hbm>>
    %dma_wait3A_49 = arith.constant 0 : i32
    %dma_wait3A_50 = tpu.memref_slice %arg5[%dma_wait3A, %dma_wait3A_49] : memref<1x2000xi32, #tpu.memory_space<vmem>> -> memref<1x2000xi32, #tpu.memory_space<vmem>>
    %dma_wait3A_51 = tpu.memref_squeeze %dma_wait3A_50 : memref<1x2000xi32, #tpu.memory_space<vmem>> -> memref<2000xi32, #tpu.memory_space<vmem>>
    %dma_wait3A_52 = tpu.memref_slice %arg3[%add3A_25] : memref<3200000xi32, #tpu.memory_space<hbm>> -> memref<2000xi32, #tpu.memory_space<hbm>>
    tpu.wait_dma2 semaphore(%arg20 : memref<!tpu.dma_semaphore, #tpu.memory_space<semaphore_mem>>) src(%dma_wait3A_52 : memref<2000xi32, #tpu.memory_space<hbm>>) dst(%dma_wait3A_51 : memref<2000xi32, #tpu.memory_space<vmem>>)
    %dma_wait3A_53 = arith.constant 0 : i32
    %dma_wait3A_54 = arith.constant 0 : i32
    %dma_wait3A_55 = tpu.memref_slice %arg7[%dma_wait3A_53, %dma_wait3A_54] : memref<1x2000xi32, #tpu.memory_space<vmem>> -> memref<1x2000xi32, #tpu.memory_space<vmem>>
    %dma_wait3A_56 = tpu.memref_squeeze %dma_wait3A_55 : memref<1x2000xi32, #tpu.memory_space<vmem>> -> memref<2000xi32, #tpu.memory_space<vmem>>
    %dma_wait3A_57 = tpu.memref_slice %arg3[%add3A_27] : memref<3200000xi32, #tpu.memory_space<hbm>> -> memref<2000xi32, #tpu.memory_space<hbm>>
    %dma_wait3A_58 = arith.constant 0 : i32
    %dma_wait3A_59 = tpu.memref_slice %arg7[%dma_wait3A_53, %dma_wait3A_58] : memref<1x2000xi32, #tpu.memory_space<vmem>> -> memref<1x2000xi32, #tpu.memory_space<vmem>>
    %dma_wait3A_60 = tpu.memref_squeeze %dma_wait3A_59 : memref<1x2000xi32, #tpu.memory_space<vmem>> -> memref<2000xi32, #tpu.memory_space<vmem>>
    %dma_wait3A_61 = tpu.memref_slice %arg3[%add3A_27] : memref<3200000xi32, #tpu.memory_space<hbm>> -> memref<2000xi32, #tpu.memory_space<hbm>>
    tpu.wait_dma2 semaphore(%arg20 : memref<!tpu.dma_semaphore, #tpu.memory_space<semaphore_mem>>) src(%dma_wait3A_61 : memref<2000xi32, #tpu.memory_space<hbm>>) dst(%dma_wait3A_60 : memref<2000xi32, #tpu.memory_space<vmem>>)
    %dma_start3A_62 = arith.constant 0 : i32
    %dma_start3A_63 = arith.constant 0 : i32
    %dma_start3A_64 = tpu.memref_slice %arg5[%dma_start3A_62, %dma_start3A_63] : memref<1x2000xi32, #tpu.memory_space<vmem>> -> memref<1x2000xi32, #tpu.memory_space<vmem>>
    %dma_start3A_65 = tpu.memref_squeeze %dma_start3A_64 : memref<1x2000xi32, #tpu.memory_space<vmem>> -> memref<2000xi32, #tpu.memory_space<vmem>>
    %dma_start3A_66 = arith.constant 0 : i32
    %dma_start3A_67 = tpu.memref_slice %arg19[%dma_start3A_66] : memref<50000xf32, #tpu.memory_space<vmem_shared>> -> memref<50000xf32, #tpu.memory_space<vmem_shared>>
    tpu.enqueue_indirect_dma source(%dma_start3A_67 : memref<50000xf32, #tpu.memory_space<vmem_shared>>) target(%arg9 : memref<2000xf32, #tpu.memory_space<vmem>>) offsets(%dma_start3A_65 : memref<2000xi32, #tpu.memory_space<vmem>>) semaphore(%arg22 : memref<!tpu.dma_semaphore, #tpu.memory_space<semaphore_mem>>)
    %dma_start3A_68 = arith.constant 0 : i32
    %dma_start3A_69 = arith.constant 0 : i32
    %dma_start3A_70 = tpu.memref_slice %arg7[%dma_start3A_68, %dma_start3A_69] : memref<1x2000xi32, #tpu.memory_space<vmem>> -> memref<1x2000xi32, #tpu.memory_space<vmem>>
    %dma_start3A_71 = tpu.memref_squeeze %dma_start3A_70 : memref<1x2000xi32, #tpu.memory_space<vmem>> -> memref<2000xi32, #tpu.memory_space<vmem>>
    %dma_start3A_72 = arith.constant 0 : i32
    %dma_start3A_73 = tpu.memref_slice %arg19[%dma_start3A_72] : memref<50000xf32, #tpu.memory_space<vmem_shared>> -> memref<50000xf32, #tpu.memory_space<vmem_shared>>
    tpu.enqueue_indirect_dma source(%dma_start3A_73 : memref<50000xf32, #tpu.memory_space<vmem_shared>>) target(%arg11 : memref<2000xf32, #tpu.memory_space<vmem>>) offsets(%dma_start3A_71 : memref<2000xi32, #tpu.memory_space<vmem>>) semaphore(%arg22 : memref<!tpu.dma_semaphore, #tpu.memory_space<semaphore_mem>>)
    %scan3A_74 = arith.constant 0 : i32
    %scan3A_75 = arith.constant 0 : i32
    %scan3A_76 = arith.constant 12 : i32
    %scan3A_77 = arith.addi %scan3A_75, %scan3A_76 : i32
    %scan3A_78 = arith.constant 1 : i32
    scf.for %scan3A_120 = %scan3A_75 to %scan3A_77 step %scan3A_78  : i32 {
      %mul3A_121 = arith.constant 2 : i32
      %mul3A_122 = arith.muli %scan3A_120, %mul3A_121 : i32
      %add3A_123 = arith.constant 0 : i32
      %add3A_124 = arith.addi %mul3A_122, %add3A_123 : i32
      %ge3A = arith.constant 1 : i32
      %ge3A_125 = arith.cmpi sge, %add3A_124, %ge3A : i32
      %convert_element_type3A_126 = arith.extui %ge3A_125 : i1 to i32
      %cond3A_127 = arith.constant 0 : i32
      %cond3A_128 = arith.cmpi ne, %convert_element_type3A_126, %cond3A_127 : i32
      scf.if %cond3A_128 {
        %dma_wait3A_290 = arith.constant 0 : i32
        %dma_wait3A_291 = arith.constant 0 : i32
        %dma_wait3A_292 = tpu.memref_slice %arg6[%dma_wait3A_290, %dma_wait3A_291] : memref<1x2000xi32, #tpu.memory_space<vmem>> -> memref<1x2000xi32, #tpu.memory_space<vmem>>
        %dma_wait3A_293 = tpu.memref_squeeze %dma_wait3A_292 : memref<1x2000xi32, #tpu.memory_space<vmem>> -> memref<2000xi32, #tpu.memory_space<vmem>>
        %dma_wait3A_294 = arith.constant 0 : i32
        %dma_wait3A_295 = tpu.memref_slice %arg18[%dma_wait3A_294] : memref<50176xf32, #tpu.memory_space<vmem_shared>> -> memref<50176xf32, #tpu.memory_space<vmem_shared>>
        tpu.wait_indirect_dma semaphore(%arg25 : memref<!tpu.dma_semaphore, #tpu.memory_space<semaphore_mem>>) src(%arg16 : memref<2000xf32, #tpu.memory_space<vmem>>) dst(%dma_wait3A_295 : memref<50176xf32, #tpu.memory_space<vmem_shared>>)
      } else {
      }
      %add3A_129 = arith.constant 1 : i32
      %add3A_130 = arith.addi %add3A_124, %add3A_129 : i32
      %mul3A_131 = arith.constant 2000 : i32
      %mul3A_132 = arith.muli %add3A_130, %mul3A_131 : i32
      %add3A_133 = arith.addi %mul3A_23, %mul3A_132 : i32
      %add3A_134 = arith.constant 1600000 : i32
      %add3A_135 = arith.addi %add3A_134, %add3A_133 : i32
      %dma_start3A_136 = arith.constant 0 : i32
      %dma_start3A_137 = arith.constant 0 : i32
      %dma_start3A_138 = tpu.memref_slice %arg6[%dma_start3A_136, %dma_start3A_137] : memref<1x2000xi32, #tpu.memory_space<vmem>> -> memref<1x2000xi32, #tpu.memory_space<vmem>>
      %dma_start3A_139 = tpu.memref_squeeze %dma_start3A_138 : memref<1x2000xi32, #tpu.memory_space<vmem>> -> memref<2000xi32, #tpu.memory_space<vmem>>
      %dma_start3A_140 = tpu.memref_slice %arg3[%add3A_133] : memref<3200000xi32, #tpu.memory_space<hbm>> -> memref<2000xi32, #tpu.memory_space<hbm>>
      %dma_start3A_141 = arith.constant 0 : i32
      %dma_start3A_142 = tpu.memref_slice %arg6[%dma_start3A_136, %dma_start3A_141] : memref<1x2000xi32, #tpu.memory_space<vmem>> -> memref<1x2000xi32, #tpu.memory_space<vmem>>
      %dma_start3A_143 = tpu.memref_squeeze %dma_start3A_142 : memref<1x2000xi32, #tpu.memory_space<vmem>> -> memref<2000xi32, #tpu.memory_space<vmem>>
      %dma_start3A_144 = tpu.memref_slice %arg3[%add3A_133] : memref<3200000xi32, #tpu.memory_space<hbm>> -> memref<2000xi32, #tpu.memory_space<hbm>>
      tpu.enqueue_dma source(%dma_start3A_144 : memref<2000xi32, #tpu.memory_space<hbm>>) target(%dma_start3A_143 : memref<2000xi32, #tpu.memory_space<vmem>>) target_semaphore(%arg21 : memref<!tpu.dma_semaphore, #tpu.memory_space<semaphore_mem>>)
      %dma_start3A_145 = arith.constant 0 : i32
      %dma_start3A_146 = arith.constant 0 : i32
      %dma_start3A_147 = tpu.memref_slice %arg8[%dma_start3A_145, %dma_start3A_146] : memref<1x2000xi32, #tpu.memory_space<vmem>> -> memref<1x2000xi32, #tpu.memory_space<vmem>>
      %dma_start3A_148 = tpu.memref_squeeze %dma_start3A_147 : memref<1x2000xi32, #tpu.memory_space<vmem>> -> memref<2000xi32, #tpu.memory_space<vmem>>
      %dma_start3A_149 = tpu.memref_slice %arg3[%add3A_135] : memref<3200000xi32, #tpu.memory_space<hbm>> -> memref<2000xi32, #tpu.memory_space<hbm>>
      %dma_start3A_150 = arith.constant 0 : i32
      %dma_start3A_151 = tpu.memref_slice %arg8[%dma_start3A_145, %dma_start3A_150] : memref<1x2000xi32, #tpu.memory_space<vmem>> -> memref<1x2000xi32, #tpu.memory_space<vmem>>
      %dma_start3A_152 = tpu.memref_squeeze %dma_start3A_151 : memref<1x2000xi32, #tpu.memory_space<vmem>> -> memref<2000xi32, #tpu.memory_space<vmem>>
      %dma_start3A_153 = tpu.memref_slice %arg3[%add3A_135] : memref<3200000xi32, #tpu.memory_space<hbm>> -> memref<2000xi32, #tpu.memory_space<hbm>>
      tpu.enqueue_dma source(%dma_start3A_153 : memref<2000xi32, #tpu.memory_space<hbm>>) target(%dma_start3A_152 : memref<2000xi32, #tpu.memory_space<vmem>>) target_semaphore(%arg21 : memref<!tpu.dma_semaphore, #tpu.memory_space<semaphore_mem>>)
      %dma_wait3A_154 = arith.constant 0 : i32
      %dma_wait3A_155 = arith.constant 0 : i32
      %dma_wait3A_156 = tpu.memref_slice %arg6[%dma_wait3A_154, %dma_wait3A_155] : memref<1x2000xi32, #tpu.memory_space<vmem>> -> memref<1x2000xi32, #tpu.memory_space<vmem>>
      %dma_wait3A_157 = tpu.memref_squeeze %dma_wait3A_156 : memref<1x2000xi32, #tpu.memory_space<vmem>> -> memref<2000xi32, #tpu.memory_space<vmem>>
      %dma_wait3A_158 = tpu.memref_slice %arg3[%add3A_133] : memref<3200000xi32, #tpu.memory_space<hbm>> -> memref<2000xi32, #tpu.memory_space<hbm>>
      %dma_wait3A_159 = arith.constant 0 : i32
      %dma_wait3A_160 = tpu.memref_slice %arg6[%dma_wait3A_154, %dma_wait3A_159] : memref<1x2000xi32, #tpu.memory_space<vmem>> -> memref<1x2000xi32, #tpu.memory_space<vmem>>
      %dma_wait3A_161 = tpu.memref_squeeze %dma_wait3A_160 : memref<1x2000xi32, #tpu.memory_space<vmem>> -> memref<2000xi32, #tpu.memory_space<vmem>>
      %dma_wait3A_162 = tpu.memref_slice %arg3[%add3A_133] : memref<3200000xi32, #tpu.memory_space<hbm>> -> memref<2000xi32, #tpu.memory_space<hbm>>
      tpu.wait_dma2 semaphore(%arg21 : memref<!tpu.dma_semaphore, #tpu.memory_space<semaphore_mem>>) src(%dma_wait3A_162 : memref<2000xi32, #tpu.memory_space<hbm>>) dst(%dma_wait3A_161 : memref<2000xi32, #tpu.memory_space<vmem>>)
      %dma_wait3A_163 = arith.constant 0 : i32
      %dma_wait3A_164 = arith.constant 0 : i32
      %dma_wait3A_165 = tpu.memref_slice %arg8[%dma_wait3A_163, %dma_wait3A_164] : memref<1x2000xi32, #tpu.memory_space<vmem>> -> memref<1x2000xi32, #tpu.memory_space<vmem>>
      %dma_wait3A_166 = tpu.memref_squeeze %dma_wait3A_165 : memref<1x2000xi32, #tpu.memory_space<vmem>> -> memref<2000xi32, #tpu.memory_space<vmem>>
      %dma_wait3A_167 = tpu.memref_slice %arg3[%add3A_135] : memref<3200000xi32, #tpu.memory_space<hbm>> -> memref<2000xi32, #tpu.memory_space<hbm>>
      %dma_wait3A_168 = arith.constant 0 : i32
      %dma_wait3A_169 = tpu.memref_slice %arg8[%dma_wait3A_163, %dma_wait3A_168] : memref<1x2000xi32, #tpu.memory_space<vmem>> -> memref<1x2000xi32, #tpu.memory_space<vmem>>
      %dma_wait3A_170 = tpu.memref_squeeze %dma_wait3A_169 : memref<1x2000xi32, #tpu.memory_space<vmem>> -> memref<2000xi32, #tpu.memory_space<vmem>>
      %dma_wait3A_171 = tpu.memref_slice %arg3[%add3A_135] : memref<3200000xi32, #tpu.memory_space<hbm>> -> memref<2000xi32, #tpu.memory_space<hbm>>
      tpu.wait_dma2 semaphore(%arg21 : memref<!tpu.dma_semaphore, #tpu.memory_space<semaphore_mem>>) src(%dma_wait3A_171 : memref<2000xi32, #tpu.memory_space<hbm>>) dst(%dma_wait3A_170 : memref<2000xi32, #tpu.memory_space<vmem>>)
      %dma_start3A_172 = arith.constant 0 : i32
      %dma_start3A_173 = arith.constant 0 : i32
      %dma_start3A_174 = tpu.memref_slice %arg6[%dma_start3A_172, %dma_start3A_173] : memref<1x2000xi32, #tpu.memory_space<vmem>> -> memref<1x2000xi32, #tpu.memory_space<vmem>>
      %dma_start3A_175 = tpu.memref_squeeze %dma_start3A_174 : memref<1x2000xi32, #tpu.memory_space<vmem>> -> memref<2000xi32, #tpu.memory_space<vmem>>
      %dma_start3A_176 = arith.constant 0 : i32
      %dma_start3A_177 = tpu.memref_slice %arg19[%dma_start3A_176] : memref<50000xf32, #tpu.memory_space<vmem_shared>> -> memref<50000xf32, #tpu.memory_space<vmem_shared>>
      tpu.enqueue_indirect_dma source(%dma_start3A_177 : memref<50000xf32, #tpu.memory_space<vmem_shared>>) target(%arg10 : memref<2000xf32, #tpu.memory_space<vmem>>) offsets(%dma_start3A_175 : memref<2000xi32, #tpu.memory_space<vmem>>) semaphore(%arg23 : memref<!tpu.dma_semaphore, #tpu.memory_space<semaphore_mem>>)
      %dma_start3A_178 = arith.constant 0 : i32
      %dma_start3A_179 = arith.constant 0 : i32
      %dma_start3A_180 = tpu.memref_slice %arg8[%dma_start3A_178, %dma_start3A_179] : memref<1x2000xi32, #tpu.memory_space<vmem>> -> memref<1x2000xi32, #tpu.memory_space<vmem>>
      %dma_start3A_181 = tpu.memref_squeeze %dma_start3A_180 : memref<1x2000xi32, #tpu.memory_space<vmem>> -> memref<2000xi32, #tpu.memory_space<vmem>>
      %dma_start3A_182 = arith.constant 0 : i32
      %dma_start3A_183 = tpu.memref_slice %arg19[%dma_start3A_182] : memref<50000xf32, #tpu.memory_space<vmem_shared>> -> memref<50000xf32, #tpu.memory_space<vmem_shared>>
      tpu.enqueue_indirect_dma source(%dma_start3A_183 : memref<50000xf32, #tpu.memory_space<vmem_shared>>) target(%arg12 : memref<2000xf32, #tpu.memory_space<vmem>>) offsets(%dma_start3A_181 : memref<2000xi32, #tpu.memory_space<vmem>>) semaphore(%arg23 : memref<!tpu.dma_semaphore, #tpu.memory_space<semaphore_mem>>)
      %dma_wait3A_184 = arith.constant 0 : i32
      %dma_wait3A_185 = arith.constant 0 : i32
      %dma_wait3A_186 = tpu.memref_slice %arg5[%dma_wait3A_184, %dma_wait3A_185] : memref<1x2000xi32, #tpu.memory_space<vmem>> -> memref<1x2000xi32, #tpu.memory_space<vmem>>
      %dma_wait3A_187 = tpu.memref_squeeze %dma_wait3A_186 : memref<1x2000xi32, #tpu.memory_space<vmem>> -> memref<2000xi32, #tpu.memory_space<vmem>>
      %dma_wait3A_188 = arith.constant 0 : i32
      %dma_wait3A_189 = tpu.memref_slice %arg19[%dma_wait3A_188] : memref<50000xf32, #tpu.memory_space<vmem_shared>> -> memref<50000xf32, #tpu.memory_space<vmem_shared>>
      tpu.wait_indirect_dma semaphore(%arg22 : memref<!tpu.dma_semaphore, #tpu.memory_space<semaphore_mem>>) src(%dma_wait3A_189 : memref<50000xf32, #tpu.memory_space<vmem_shared>>) dst(%arg9 : memref<2000xf32, #tpu.memory_space<vmem>>)
      %dma_wait3A_190 = arith.constant 0 : i32
      %dma_wait3A_191 = arith.constant 0 : i32
      %dma_wait3A_192 = tpu.memref_slice %arg7[%dma_wait3A_190, %dma_wait3A_191] : memref<1x2000xi32, #tpu.memory_space<vmem>> -> memref<1x2000xi32, #tpu.memory_space<vmem>>
      %dma_wait3A_193 = tpu.memref_squeeze %dma_wait3A_192 : memref<1x2000xi32, #tpu.memory_space<vmem>> -> memref<2000xi32, #tpu.memory_space<vmem>>
      %dma_wait3A_194 = arith.constant 0 : i32
      %dma_wait3A_195 = tpu.memref_slice %arg19[%dma_wait3A_194] : memref<50000xf32, #tpu.memory_space<vmem_shared>> -> memref<50000xf32, #tpu.memory_space<vmem_shared>>
      tpu.wait_indirect_dma semaphore(%arg22 : memref<!tpu.dma_semaphore, #tpu.memory_space<semaphore_mem>>) src(%dma_wait3A_195 : memref<50000xf32, #tpu.memory_space<vmem_shared>>) dst(%arg11 : memref<2000xf32, #tpu.memory_space<vmem>>)
      %parallel_loop3A_196 = arith.constant 0 : i32
      %parallel_loop3A_197 = arith.constant 125 : i32
      %parallel_loop3A_198 = arith.constant 1 : i32
      scf.for %parallel_loop3A_290 = %parallel_loop3A_196 to %parallel_loop3A_197 step %parallel_loop3A_198  : i32 {
        %parallel_loop3A_291 = arith.constant 16 : i32
        %parallel_loop3A_292 = arith.muli %parallel_loop3A_290, %parallel_loop3A_291 : i32
        %parallel_loop3A_293 = arith.constant 0 : i32
        %parallel_loop3A_294 = arith.index_cast %parallel_loop3A_293 : i32 to index
        %parallel_loop3A_295 = arith.index_cast %parallel_loop3A_292 : i32 to index
        %parallel_loop3A_296 = tpu.vector_load %arg5[%parallel_loop3A_294, %parallel_loop3A_295] {strides = array<i32>} : memref<1x2000xi32, #tpu.memory_space<vmem>>, vector<16xi32>,
        %parallel_loop3A_297 = arith.constant 16 : i32
        %parallel_loop3A_298 = arith.muli %parallel_loop3A_290, %parallel_loop3A_297 : i32
        %parallel_loop3A_299 = arith.constant 0 : i32
        %parallel_loop3A_300 = arith.index_cast %parallel_loop3A_299 : i32 to index
        %parallel_loop3A_301 = arith.index_cast %parallel_loop3A_298 : i32 to index
        %parallel_loop3A_302 = tpu.vector_load %arg7[%parallel_loop3A_300, %parallel_loop3A_301] {strides = array<i32>} : memref<1x2000xi32, #tpu.memory_space<vmem>>, vector<16xi32>,
        %parallel_loop3A_303 = tpu.vector_load_idx %arg13[%parallel_loop3A_296] : memref<50000xf32, #tpu.memory_space<vmem>>[vector<16xi32>], vector<16xf32>,
        %parallel_loop3A_304 = tpu.vector_load_idx %arg14[%parallel_loop3A_296] : memref<50000xf32, #tpu.memory_space<vmem>>[vector<16xi32>], vector<16xf32>,
        %parallel_loop3A_305 = arith.constant 16 : i32
        %parallel_loop3A_306 = arith.muli %parallel_loop3A_290, %parallel_loop3A_305 : i32
        %parallel_loop3A_307 = arith.index_cast %parallel_loop3A_306 : i32 to index
        %parallel_loop3A_308 = tpu.vector_load %arg9[%parallel_loop3A_307] {strides = array<i32>} : memref<2000xf32, #tpu.memory_space<vmem>>, vector<16xf32>,
        %parallel_loop3A_309 = tpu.vector_load_idx %arg13[%parallel_loop3A_302] : memref<50000xf32, #tpu.memory_space<vmem>>[vector<16xi32>], vector<16xf32>,
        %parallel_loop3A_310 = tpu.vector_load_idx %arg14[%parallel_loop3A_302] : memref<50000xf32, #tpu.memory_space<vmem>>[vector<16xi32>], vector<16xf32>,
        %parallel_loop3A_311 = arith.constant 16 : i32
        %parallel_loop3A_312 = arith.muli %parallel_loop3A_290, %parallel_loop3A_311 : i32
        %parallel_loop3A_313 = arith.index_cast %parallel_loop3A_312 : i32 to index
        %parallel_loop3A_314 = tpu.vector_load %arg11[%parallel_loop3A_313] {strides = array<i32>} : memref<2000xf32, #tpu.memory_space<vmem>>, vector<16xf32>,
        %parallel_loop3A_315 = arith.subf %parallel_loop3A_309, %parallel_loop3A_303 : vector<16xf32>
        %parallel_loop3A_316 = arith.subf %parallel_loop3A_310, %parallel_loop3A_304 : vector<16xf32>
        %parallel_loop3A_317 = arith.subf %parallel_loop3A_314, %parallel_loop3A_308 : vector<16xf32>
        %parallel_loop3A_318 = arith.mulf %parallel_loop3A_315, %parallel_loop3A_315 : vector<16xf32>
        %parallel_loop3A_319 = arith.mulf %parallel_loop3A_316, %parallel_loop3A_316 : vector<16xf32>
        %parallel_loop3A_320 = arith.addf %parallel_loop3A_318, %parallel_loop3A_319 : vector<16xf32>
        %parallel_loop3A_321 = arith.mulf %parallel_loop3A_317, %parallel_loop3A_317 : vector<16xf32>
        %parallel_loop3A_322 = arith.addf %parallel_loop3A_320, %parallel_loop3A_321 : vector<16xf32>
        %parallel_loop3A_323 = arith.divf %broadcast_in_dim3A_19, %parallel_loop3A_322 : vector<16xf32>
        %parallel_loop3A_324 = arith.mulf %parallel_loop3A_323, %parallel_loop3A_323 : vector<16xf32>
        %parallel_loop3A_325 = arith.mulf %parallel_loop3A_324, %parallel_loop3A_323 : vector<16xf32>
        %parallel_loop3A_326 = arith.mulf %parallel_loop3A_325, %parallel_loop3A_325 : vector<16xf32>
        %parallel_loop3A_327 = arith.subf %parallel_loop3A_326, %parallel_loop3A_325 : vector<16xf32>
        %parallel_loop3A_328 = arith.mulf %broadcast_in_dim3A_21, %parallel_loop3A_327 : vector<16xf32>
        %parallel_loop3A_329 = arith.constant 16 : i32
        %parallel_loop3A_330 = arith.muli %parallel_loop3A_290, %parallel_loop3A_329 : i32
        %parallel_loop3A_331 = arith.index_cast %parallel_loop3A_330 : i32 to index
        %parallel_loop3A_332 = tpu.vector_load %arg15[%parallel_loop3A_331] {strides = array<i32>} : memref<2000xf32, #tpu.memory_space<vmem>>, vector<16xf32>,
        tpu.vector_store %arg15[%parallel_loop3A_331], %parallel_loop3A_328 {strides = array<i32>} : memref<2000xf32, #tpu.memory_space<vmem>>, vector<16xf32>,
      } {sc.loop_unroll_factor = 4 : i64, sc.parallel_access}
      %dma_start3A_199 = arith.constant 0 : i32
      %dma_start3A_200 = arith.constant 0 : i32
      %dma_start3A_201 = tpu.memref_slice %arg5[%dma_start3A_199, %dma_start3A_200] : memref<1x2000xi32, #tpu.memory_space<vmem>> -> memref<1x2000xi32, #tpu.memory_space<vmem>>
      %dma_start3A_202 = tpu.memref_squeeze %dma_start3A_201 : memref<1x2000xi32, #tpu.memory_space<vmem>> -> memref<2000xi32, #tpu.memory_space<vmem>>
      %dma_start3A_203 = arith.constant 0 : i32
      %dma_start3A_204 = tpu.memref_slice %arg18[%dma_start3A_203] : memref<50176xf32, #tpu.memory_space<vmem_shared>> -> memref<50176xf32, #tpu.memory_space<vmem_shared>>
      tpu.enqueue_indirect_dma source(%arg15 : memref<2000xf32, #tpu.memory_space<vmem>>) target(%dma_start3A_204 : memref<50176xf32, #tpu.memory_space<vmem_shared>>) offsets(%dma_start3A_202 : memref<2000xi32, #tpu.memory_space<vmem>>) semaphore(%arg24 : memref<!tpu.dma_semaphore, #tpu.memory_space<semaphore_mem>>) {add = true}
      %mul3A_205 = arith.constant 2 : i32
      %mul3A_206 = arith.muli %scan3A_120, %mul3A_205 : i32
      %add3A_207 = arith.constant 1 : i32
      %add3A_208 = arith.addi %mul3A_206, %add3A_207 : i32
      %ge3A_209 = arith.constant 1 : i32
      %ge3A_210 = arith.cmpi sge, %add3A_208, %ge3A_209 : i32
      %convert_element_type3A_211 = arith.extui %ge3A_210 : i1 to i32
      %cond3A_212 = arith.constant 0 : i32
      %cond3A_213 = arith.cmpi ne, %convert_element_type3A_211, %cond3A_212 : i32
      scf.if %cond3A_213 {
        %dma_wait3A_290 = arith.constant 0 : i32
        %dma_wait3A_291 = arith.constant 0 : i32
        %dma_wait3A_292 = tpu.memref_slice %arg5[%dma_wait3A_290, %dma_wait3A_291] : memref<1x2000xi32, #tpu.memory_space<vmem>> -> memref<1x2000xi32, #tpu.memory_space<vmem>>
        %dma_wait3A_293 = tpu.memref_squeeze %dma_wait3A_292 : memref<1x2000xi32, #tpu.memory_space<vmem>> -> memref<2000xi32, #tpu.memory_space<vmem>>
        %dma_wait3A_294 = arith.constant 0 : i32
        %dma_wait3A_295 = tpu.memref_slice %arg18[%dma_wait3A_294] : memref<50176xf32, #tpu.memory_space<vmem_shared>> -> memref<50176xf32, #tpu.memory_space<vmem_shared>>
        tpu.wait_indirect_dma semaphore(%arg24 : memref<!tpu.dma_semaphore, #tpu.memory_space<semaphore_mem>>) src(%arg15 : memref<2000xf32, #tpu.memory_space<vmem>>) dst(%dma_wait3A_295 : memref<50176xf32, #tpu.memory_space<vmem_shared>>)
      } else {
      }
      %add3A_214 = arith.constant 1 : i32
      %add3A_215 = arith.addi %add3A_208, %add3A_214 : i32
      %mul3A_216 = arith.constant 2000 : i32
      %mul3A_217 = arith.muli %add3A_215, %mul3A_216 : i32
      %add3A_218 = arith.addi %mul3A_23, %mul3A_217 : i32
      %add3A_219 = arith.constant 1600000 : i32
      %add3A_220 = arith.addi %add3A_219, %add3A_218 : i32
      %dma_start3A_221 = arith.constant 0 : i32
      %dma_start3A_222 = arith.constant 0 : i32
      %dma_start3A_223 = tpu.memref_slice %arg5[%dma_start3A_221, %dma_start3A_222] : memref<1x2000xi32, #tpu.memory_space<vmem>> -> memref<1x2000xi32, #tpu.memory_space<vmem>>
      %dma_start3A_224 = tpu.memref_squeeze %dma_start3A_223 : memref<1x2000xi32, #tpu.memory_space<vmem>> -> memref<2000xi32, #tpu.memory_space<vmem>>
      %dma_start3A_225 = tpu.memref_slice %arg3[%add3A_218] : memref<3200000xi32, #tpu.memory_space<hbm>> -> memref<2000xi32, #tpu.memory_space<hbm>>
      %dma_start3A_226 = arith.constant 0 : i32
      %dma_start3A_227 = tpu.memref_slice %arg5[%dma_start3A_221, %dma_start3A_226] : memref<1x2000xi32, #tpu.memory_space<vmem>> -> memref<1x2000xi32, #tpu.memory_space<vmem>>
      %dma_start3A_228 = tpu.memref_squeeze %dma_start3A_227 : memref<1x2000xi32, #tpu.memory_space<vmem>> -> memref<2000xi32, #tpu.memory_space<vmem>>
      %dma_start3A_229 = tpu.memref_slice %arg3[%add3A_218] : memref<3200000xi32, #tpu.memory_space<hbm>> -> memref<2000xi32, #tpu.memory_space<hbm>>
      tpu.enqueue_dma source(%dma_start3A_229 : memref<2000xi32, #tpu.memory_space<hbm>>) target(%dma_start3A_228 : memref<2000xi32, #tpu.memory_space<vmem>>) target_semaphore(%arg20 : memref<!tpu.dma_semaphore, #tpu.memory_space<semaphore_mem>>)
      %dma_start3A_230 = arith.constant 0 : i32
      %dma_start3A_231 = arith.constant 0 : i32
      %dma_start3A_232 = tpu.memref_slice %arg7[%dma_start3A_230, %dma_start3A_231] : memref<1x2000xi32, #tpu.memory_space<vmem>> -> memref<1x2000xi32, #tpu.memory_space<vmem>>
      %dma_start3A_233 = tpu.memref_squeeze %dma_start3A_232 : memref<1x2000xi32, #tpu.memory_space<vmem>> -> memref<2000xi32, #tpu.memory_space<vmem>>
      %dma_start3A_234 = tpu.memref_slice %arg3[%add3A_220] : memref<3200000xi32, #tpu.memory_space<hbm>> -> memref<2000xi32, #tpu.memory_space<hbm>>
      %dma_start3A_235 = arith.constant 0 : i32
      %dma_start3A_236 = tpu.memref_slice %arg7[%dma_start3A_230, %dma_start3A_235] : memref<1x2000xi32, #tpu.memory_space<vmem>> -> memref<1x2000xi32, #tpu.memory_space<vmem>>
      %dma_start3A_237 = tpu.memref_squeeze %dma_start3A_236 : memref<1x2000xi32, #tpu.memory_space<vmem>> -> memref<2000xi32, #tpu.memory_space<vmem>>
      %dma_start3A_238 = tpu.memref_slice %arg3[%add3A_220] : memref<3200000xi32, #tpu.memory_space<hbm>> -> memref<2000xi32, #tpu.memory_space<hbm>>
      tpu.enqueue_dma source(%dma_start3A_238 : memref<2000xi32, #tpu.memory_space<hbm>>) target(%dma_start3A_237 : memref<2000xi32, #tpu.memory_space<vmem>>) target_semaphore(%arg20 : memref<!tpu.dma_semaphore, #tpu.memory_space<semaphore_mem>>)
      %dma_wait3A_239 = arith.constant 0 : i32
      %dma_wait3A_240 = arith.constant 0 : i32
      %dma_wait3A_241 = tpu.memref_slice %arg5[%dma_wait3A_239, %dma_wait3A_240] : memref<1x2000xi32, #tpu.memory_space<vmem>> -> memref<1x2000xi32, #tpu.memory_space<vmem>>
      %dma_wait3A_242 = tpu.memref_squeeze %dma_wait3A_241 : memref<1x2000xi32, #tpu.memory_space<vmem>> -> memref<2000xi32, #tpu.memory_space<vmem>>
      %dma_wait3A_243 = tpu.memref_slice %arg3[%add3A_218] : memref<3200000xi32, #tpu.memory_space<hbm>> -> memref<2000xi32, #tpu.memory_space<hbm>>
      %dma_wait3A_244 = arith.constant 0 : i32
      %dma_wait3A_245 = tpu.memref_slice %arg5[%dma_wait3A_239, %dma_wait3A_244] : memref<1x2000xi32, #tpu.memory_space<vmem>> -> memref<1x2000xi32, #tpu.memory_space<vmem>>
      %dma_wait3A_246 = tpu.memref_squeeze %dma_wait3A_245 : memref<1x2000xi32, #tpu.memory_space<vmem>> -> memref<2000xi32, #tpu.memory_space<vmem>>
      %dma_wait3A_247 = tpu.memref_slice %arg3[%add3A_218] : memref<3200000xi32, #tpu.memory_space<hbm>> -> memref<2000xi32, #tpu.memory_space<hbm>>
      tpu.wait_dma2 semaphore(%arg20 : memref<!tpu.dma_semaphore, #tpu.memory_space<semaphore_mem>>) src(%dma_wait3A_247 : memref<2000xi32, #tpu.memory_space<hbm>>) dst(%dma_wait3A_246 : memref<2000xi32, #tpu.memory_space<vmem>>)
      %dma_wait3A_248 = arith.constant 0 : i32
      %dma_wait3A_249 = arith.constant 0 : i32
      %dma_wait3A_250 = tpu.memref_slice %arg7[%dma_wait3A_248, %dma_wait3A_249] : memref<1x2000xi32, #tpu.memory_space<vmem>> -> memref<1x2000xi32, #tpu.memory_space<vmem>>
      %dma_wait3A_251 = tpu.memref_squeeze %dma_wait3A_250 : memref<1x2000xi32, #tpu.memory_space<vmem>> -> memref<2000xi32, #tpu.memory_space<vmem>>
      %dma_wait3A_252 = tpu.memref_slice %arg3[%add3A_220] : memref<3200000xi32, #tpu.memory_space<hbm>> -> memref<2000xi32, #tpu.memory_space<hbm>>
      %dma_wait3A_253 = arith.constant 0 : i32
      %dma_wait3A_254 = tpu.memref_slice %arg7[%dma_wait3A_248, %dma_wait3A_253] : memref<1x2000xi32, #tpu.memory_space<vmem>> -> memref<1x2000xi32, #tpu.memory_space<vmem>>
      %dma_wait3A_255 = tpu.memref_squeeze %dma_wait3A_254 : memref<1x2000xi32, #tpu.memory_space<vmem>> -> memref<2000xi32, #tpu.memory_space<vmem>>
      %dma_wait3A_256 = tpu.memref_slice %arg3[%add3A_220] : memref<3200000xi32, #tpu.memory_space<hbm>> -> memref<2000xi32, #tpu.memory_space<hbm>>
      tpu.wait_dma2 semaphore(%arg20 : memref<!tpu.dma_semaphore, #tpu.memory_space<semaphore_mem>>) src(%dma_wait3A_256 : memref<2000xi32, #tpu.memory_space<hbm>>) dst(%dma_wait3A_255 : memref<2000xi32, #tpu.memory_space<vmem>>)
      %dma_start3A_257 = arith.constant 0 : i32
      %dma_start3A_258 = arith.constant 0 : i32
      %dma_start3A_259 = tpu.memref_slice %arg5[%dma_start3A_257, %dma_start3A_258] : memref<1x2000xi32, #tpu.memory_space<vmem>> -> memref<1x2000xi32, #tpu.memory_space<vmem>>
      %dma_start3A_260 = tpu.memref_squeeze %dma_start3A_259 : memref<1x2000xi32, #tpu.memory_space<vmem>> -> memref<2000xi32, #tpu.memory_space<vmem>>
      %dma_start3A_261 = arith.constant 0 : i32
      %dma_start3A_262 = tpu.memref_slice %arg19[%dma_start3A_261] : memref<50000xf32, #tpu.memory_space<vmem_shared>> -> memref<50000xf32, #tpu.memory_space<vmem_shared>>
      tpu.enqueue_indirect_dma source(%dma_start3A_262 : memref<50000xf32, #tpu.memory_space<vmem_shared>>) target(%arg9 : memref<2000xf32, #tpu.memory_space<vmem>>) offsets(%dma_start3A_260 : memref<2000xi32, #tpu.memory_space<vmem>>) semaphore(%arg22 : memref<!tpu.dma_semaphore, #tpu.memory_space<semaphore_mem>>)
      %dma_start3A_263 = arith.constant 0 : i32
      %dma_start3A_264 = arith.constant 0 : i32
      %dma_start3A_265 = tpu.memref_slice %arg7[%dma_start3A_263, %dma_start3A_264] : memref<1x2000xi32, #tpu.memory_space<vmem>> -> memref<1x2000xi32, #tpu.memory_space<vmem>>
      %dma_start3A_266 = tpu.memref_squeeze %dma_start3A_265 : memref<1x2000xi32, #tpu.memory_space<vmem>> -> memref<2000xi32, #tpu.memory_space<vmem>>
      %dma_start3A_267 = arith.constant 0 : i32
      %dma_start3A_268 = tpu.memref_slice %arg19[%dma_start3A_267] : memref<50000xf32, #tpu.memory_space<vmem_shared>> -> memref<50000xf32, #tpu.memory_space<vmem_shared>>
      tpu.enqueue_indirect_dma source(%dma_start3A_268 : memref<50000xf32, #tpu.memory_space<vmem_shared>>) target(%arg11 : memref<2000xf32, #tpu.memory_space<vmem>>) offsets(%dma_start3A_266 : memref<2000xi32, #tpu.memory_space<vmem>>) semaphore(%arg22 : memref<!tpu.dma_semaphore, #tpu.memory_space<semaphore_mem>>)
      %dma_wait3A_269 = arith.constant 0 : i32
      %dma_wait3A_270 = arith.constant 0 : i32
      %dma_wait3A_271 = tpu.memref_slice %arg6[%dma_wait3A_269, %dma_wait3A_270] : memref<1x2000xi32, #tpu.memory_space<vmem>> -> memref<1x2000xi32, #tpu.memory_space<vmem>>
      %dma_wait3A_272 = tpu.memref_squeeze %dma_wait3A_271 : memref<1x2000xi32, #tpu.memory_space<vmem>> -> memref<2000xi32, #tpu.memory_space<vmem>>
      %dma_wait3A_273 = arith.constant 0 : i32
      %dma_wait3A_274 = tpu.memref_slice %arg19[%dma_wait3A_273] : memref<50000xf32, #tpu.memory_space<vmem_shared>> -> memref<50000xf32, #tpu.memory_space<vmem_shared>>
      tpu.wait_indirect_dma semaphore(%arg23 : memref<!tpu.dma_semaphore, #tpu.memory_space<semaphore_mem>>) src(%dma_wait3A_274 : memref<50000xf32, #tpu.memory_space<vmem_shared>>) dst(%arg10 : memref<2000xf32, #tpu.memory_space<vmem>>)
      %dma_wait3A_275 = arith.constant 0 : i32
      %dma_wait3A_276 = arith.constant 0 : i32
      %dma_wait3A_277 = tpu.memref_slice %arg8[%dma_wait3A_275, %dma_wait3A_276] : memref<1x2000xi32, #tpu.memory_space<vmem>> -> memref<1x2000xi32, #tpu.memory_space<vmem>>
      %dma_wait3A_278 = tpu.memref_squeeze %dma_wait3A_277 : memref<1x2000xi32, #tpu.memory_space<vmem>> -> memref<2000xi32, #tpu.memory_space<vmem>>
      %dma_wait3A_279 = arith.constant 0 : i32
      %dma_wait3A_280 = tpu.memref_slice %arg19[%dma_wait3A_279] : memref<50000xf32, #tpu.memory_space<vmem_shared>> -> memref<50000xf32, #tpu.memory_space<vmem_shared>>
      tpu.wait_indirect_dma semaphore(%arg23 : memref<!tpu.dma_semaphore, #tpu.memory_space<semaphore_mem>>) src(%dma_wait3A_280 : memref<50000xf32, #tpu.memory_space<vmem_shared>>) dst(%arg12 : memref<2000xf32, #tpu.memory_space<vmem>>)
      %parallel_loop3A_281 = arith.constant 0 : i32
      %parallel_loop3A_282 = arith.constant 125 : i32
      %parallel_loop3A_283 = arith.constant 1 : i32
      scf.for %parallel_loop3A_290 = %parallel_loop3A_281 to %parallel_loop3A_282 step %parallel_loop3A_283  : i32 {
        %parallel_loop3A_291 = arith.constant 16 : i32
        %parallel_loop3A_292 = arith.muli %parallel_loop3A_290, %parallel_loop3A_291 : i32
        %parallel_loop3A_293 = arith.constant 0 : i32
        %parallel_loop3A_294 = arith.index_cast %parallel_loop3A_293 : i32 to index
        %parallel_loop3A_295 = arith.index_cast %parallel_loop3A_292 : i32 to index
        %parallel_loop3A_296 = tpu.vector_load %arg6[%parallel_loop3A_294, %parallel_loop3A_295] {strides = array<i32>} : memref<1x2000xi32, #tpu.memory_space<vmem>>, vector<16xi32>,
        %parallel_loop3A_297 = arith.constant 16 : i32
        %parallel_loop3A_298 = arith.muli %parallel_loop3A_290, %parallel_loop3A_297 : i32
        %parallel_loop3A_299 = arith.constant 0 : i32
        %parallel_loop3A_300 = arith.index_cast %parallel_loop3A_299 : i32 to index
        %parallel_loop3A_301 = arith.index_cast %parallel_loop3A_298 : i32 to index
        %parallel_loop3A_302 = tpu.vector_load %arg8[%parallel_loop3A_300, %parallel_loop3A_301] {strides = array<i32>} : memref<1x2000xi32, #tpu.memory_space<vmem>>, vector<16xi32>,
        %parallel_loop3A_303 = tpu.vector_load_idx %arg13[%parallel_loop3A_296] : memref<50000xf32, #tpu.memory_space<vmem>>[vector<16xi32>], vector<16xf32>,
        %parallel_loop3A_304 = tpu.vector_load_idx %arg14[%parallel_loop3A_296] : memref<50000xf32, #tpu.memory_space<vmem>>[vector<16xi32>], vector<16xf32>,
        %parallel_loop3A_305 = arith.constant 16 : i32
        %parallel_loop3A_306 = arith.muli %parallel_loop3A_290, %parallel_loop3A_305 : i32
        %parallel_loop3A_307 = arith.index_cast %parallel_loop3A_306 : i32 to index
        %parallel_loop3A_308 = tpu.vector_load %arg10[%parallel_loop3A_307] {strides = array<i32>} : memref<2000xf32, #tpu.memory_space<vmem>>, vector<16xf32>,
        %parallel_loop3A_309 = tpu.vector_load_idx %arg13[%parallel_loop3A_302] : memref<50000xf32, #tpu.memory_space<vmem>>[vector<16xi32>], vector<16xf32>,
        %parallel_loop3A_310 = tpu.vector_load_idx %arg14[%parallel_loop3A_302] : memref<50000xf32, #tpu.memory_space<vmem>>[vector<16xi32>], vector<16xf32>,
        %parallel_loop3A_311 = arith.constant 16 : i32
        %parallel_loop3A_312 = arith.muli %parallel_loop3A_290, %parallel_loop3A_311 : i32
        %parallel_loop3A_313 = arith.index_cast %parallel_loop3A_312 : i32 to index
        %parallel_loop3A_314 = tpu.vector_load %arg12[%parallel_loop3A_313] {strides = array<i32>} : memref<2000xf32, #tpu.memory_space<vmem>>, vector<16xf32>,
        %parallel_loop3A_315 = arith.subf %parallel_loop3A_309, %parallel_loop3A_303 : vector<16xf32>
        %parallel_loop3A_316 = arith.subf %parallel_loop3A_310, %parallel_loop3A_304 : vector<16xf32>
        %parallel_loop3A_317 = arith.subf %parallel_loop3A_314, %parallel_loop3A_308 : vector<16xf32>
        %parallel_loop3A_318 = arith.mulf %parallel_loop3A_315, %parallel_loop3A_315 : vector<16xf32>
        %parallel_loop3A_319 = arith.mulf %parallel_loop3A_316, %parallel_loop3A_316 : vector<16xf32>
        %parallel_loop3A_320 = arith.addf %parallel_loop3A_318, %parallel_loop3A_319 : vector<16xf32>
        %parallel_loop3A_321 = arith.mulf %parallel_loop3A_317, %parallel_loop3A_317 : vector<16xf32>
        %parallel_loop3A_322 = arith.addf %parallel_loop3A_320, %parallel_loop3A_321 : vector<16xf32>
        %parallel_loop3A_323 = arith.divf %broadcast_in_dim3A_19, %parallel_loop3A_322 : vector<16xf32>
        %parallel_loop3A_324 = arith.mulf %parallel_loop3A_323, %parallel_loop3A_323 : vector<16xf32>
        %parallel_loop3A_325 = arith.mulf %parallel_loop3A_324, %parallel_loop3A_323 : vector<16xf32>
        %parallel_loop3A_326 = arith.mulf %parallel_loop3A_325, %parallel_loop3A_325 : vector<16xf32>
        %parallel_loop3A_327 = arith.subf %parallel_loop3A_326, %parallel_loop3A_325 : vector<16xf32>
        %parallel_loop3A_328 = arith.mulf %broadcast_in_dim3A_21, %parallel_loop3A_327 : vector<16xf32>
        %parallel_loop3A_329 = arith.constant 16 : i32
        %parallel_loop3A_330 = arith.muli %parallel_loop3A_290, %parallel_loop3A_329 : i32
        %parallel_loop3A_331 = arith.index_cast %parallel_loop3A_330 : i32 to index
        %parallel_loop3A_332 = tpu.vector_load %arg16[%parallel_loop3A_331] {strides = array<i32>} : memref<2000xf32, #tpu.memory_space<vmem>>, vector<16xf32>,
        tpu.vector_store %arg16[%parallel_loop3A_331], %parallel_loop3A_328 {strides = array<i32>} : memref<2000xf32, #tpu.memory_space<vmem>>, vector<16xf32>,
      } {sc.loop_unroll_factor = 4 : i64, sc.parallel_access}
      %dma_start3A_284 = arith.constant 0 : i32
      %dma_start3A_285 = arith.constant 0 : i32
      %dma_start3A_286 = tpu.memref_slice %arg6[%dma_start3A_284, %dma_start3A_285] : memref<1x2000xi32, #tpu.memory_space<vmem>> -> memref<1x2000xi32, #tpu.memory_space<vmem>>
      %dma_start3A_287 = tpu.memref_squeeze %dma_start3A_286 : memref<1x2000xi32, #tpu.memory_space<vmem>> -> memref<2000xi32, #tpu.memory_space<vmem>>
      %dma_start3A_288 = arith.constant 0 : i32
      %dma_start3A_289 = tpu.memref_slice %arg18[%dma_start3A_288] : memref<50176xf32, #tpu.memory_space<vmem_shared>> -> memref<50176xf32, #tpu.memory_space<vmem_shared>>
      tpu.enqueue_indirect_dma source(%arg16 : memref<2000xf32, #tpu.memory_space<vmem>>) target(%dma_start3A_289 : memref<50176xf32, #tpu.memory_space<vmem_shared>>) offsets(%dma_start3A_287 : memref<2000xi32, #tpu.memory_space<vmem>>) semaphore(%arg25 : memref<!tpu.dma_semaphore, #tpu.memory_space<semaphore_mem>>) {add = true}
    }
    %scan3A_79 = arith.constant 12 : i32
    %dma_wait3A_80 = arith.constant 0 : i32
    %dma_wait3A_81 = arith.constant 0 : i32
    %dma_wait3A_82 = tpu.memref_slice %arg6[%dma_wait3A_80, %dma_wait3A_81] : memref<1x2000xi32, #tpu.memory_space<vmem>> -> memref<1x2000xi32, #tpu.memory_space<vmem>>
    %dma_wait3A_83 = tpu.memref_squeeze %dma_wait3A_82 : memref<1x2000xi32, #tpu.memory_space<vmem>> -> memref<2000xi32, #tpu.memory_space<vmem>>
    %dma_wait3A_84 = arith.constant 0 : i32
    %dma_wait3A_85 = tpu.memref_slice %arg18[%dma_wait3A_84] : memref<50176xf32, #tpu.memory_space<vmem_shared>> -> memref<50176xf32, #tpu.memory_space<vmem_shared>>
    tpu.wait_indirect_dma semaphore(%arg25 : memref<!tpu.dma_semaphore, #tpu.memory_space<semaphore_mem>>) src(%arg16 : memref<2000xf32, #tpu.memory_space<vmem>>) dst(%dma_wait3A_85 : memref<50176xf32, #tpu.memory_space<vmem_shared>>)
    %dma_wait3A_86 = arith.constant 0 : i32
    %dma_wait3A_87 = arith.constant 0 : i32
    %dma_wait3A_88 = tpu.memref_slice %arg5[%dma_wait3A_86, %dma_wait3A_87] : memref<1x2000xi32, #tpu.memory_space<vmem>> -> memref<1x2000xi32, #tpu.memory_space<vmem>>
    %dma_wait3A_89 = tpu.memref_squeeze %dma_wait3A_88 : memref<1x2000xi32, #tpu.memory_space<vmem>> -> memref<2000xi32, #tpu.memory_space<vmem>>
    %dma_wait3A_90 = arith.constant 0 : i32
    %dma_wait3A_91 = tpu.memref_slice %arg19[%dma_wait3A_90] : memref<50000xf32, #tpu.memory_space<vmem_shared>> -> memref<50000xf32, #tpu.memory_space<vmem_shared>>
    tpu.wait_indirect_dma semaphore(%arg22 : memref<!tpu.dma_semaphore, #tpu.memory_space<semaphore_mem>>) src(%dma_wait3A_91 : memref<50000xf32, #tpu.memory_space<vmem_shared>>) dst(%arg9 : memref<2000xf32, #tpu.memory_space<vmem>>)
    %dma_wait3A_92 = arith.constant 0 : i32
    %dma_wait3A_93 = arith.constant 0 : i32
    %dma_wait3A_94 = tpu.memref_slice %arg7[%dma_wait3A_92, %dma_wait3A_93] : memref<1x2000xi32, #tpu.memory_space<vmem>> -> memref<1x2000xi32, #tpu.memory_space<vmem>>
    %dma_wait3A_95 = tpu.memref_squeeze %dma_wait3A_94 : memref<1x2000xi32, #tpu.memory_space<vmem>> -> memref<2000xi32, #tpu.memory_space<vmem>>
    %dma_wait3A_96 = arith.constant 0 : i32
    %dma_wait3A_97 = tpu.memref_slice %arg19[%dma_wait3A_96] : memref<50000xf32, #tpu.memory_space<vmem_shared>> -> memref<50000xf32, #tpu.memory_space<vmem_shared>>
    tpu.wait_indirect_dma semaphore(%arg22 : memref<!tpu.dma_semaphore, #tpu.memory_space<semaphore_mem>>) src(%dma_wait3A_97 : memref<50000xf32, #tpu.memory_space<vmem_shared>>) dst(%arg11 : memref<2000xf32, #tpu.memory_space<vmem>>)
    %parallel_loop3A = arith.constant 0 : i32
    %parallel_loop3A_98 = arith.constant 125 : i32
    %parallel_loop3A_99 = arith.constant 1 : i32
    scf.for %parallel_loop3A_120 = %parallel_loop3A to %parallel_loop3A_98 step %parallel_loop3A_99  : i32 {
      %parallel_loop3A_121 = arith.constant 16 : i32
      %parallel_loop3A_122 = arith.muli %parallel_loop3A_120, %parallel_loop3A_121 : i32
      %parallel_loop3A_123 = arith.constant 0 : i32
      %parallel_loop3A_124 = arith.index_cast %parallel_loop3A_123 : i32 to index
      %parallel_loop3A_125 = arith.index_cast %parallel_loop3A_122 : i32 to index
      %parallel_loop3A_126 = tpu.vector_load %arg5[%parallel_loop3A_124, %parallel_loop3A_125] {strides = array<i32>} : memref<1x2000xi32, #tpu.memory_space<vmem>>, vector<16xi32>,
      %parallel_loop3A_127 = arith.constant 16 : i32
      %parallel_loop3A_128 = arith.muli %parallel_loop3A_120, %parallel_loop3A_127 : i32
      %parallel_loop3A_129 = arith.constant 0 : i32
      %parallel_loop3A_130 = arith.index_cast %parallel_loop3A_129 : i32 to index
      %parallel_loop3A_131 = arith.index_cast %parallel_loop3A_128 : i32 to index
      %parallel_loop3A_132 = tpu.vector_load %arg7[%parallel_loop3A_130, %parallel_loop3A_131] {strides = array<i32>} : memref<1x2000xi32, #tpu.memory_space<vmem>>, vector<16xi32>,
      %parallel_loop3A_133 = tpu.vector_load_idx %arg13[%parallel_loop3A_126] : memref<50000xf32, #tpu.memory_space<vmem>>[vector<16xi32>], vector<16xf32>,
      %parallel_loop3A_134 = tpu.vector_load_idx %arg14[%parallel_loop3A_126] : memref<50000xf32, #tpu.memory_space<vmem>>[vector<16xi32>], vector<16xf32>,
      %parallel_loop3A_135 = arith.constant 16 : i32
      %parallel_loop3A_136 = arith.muli %parallel_loop3A_120, %parallel_loop3A_135 : i32
      %parallel_loop3A_137 = arith.index_cast %parallel_loop3A_136 : i32 to index
      %parallel_loop3A_138 = tpu.vector_load %arg9[%parallel_loop3A_137] {strides = array<i32>} : memref<2000xf32, #tpu.memory_space<vmem>>, vector<16xf32>,
      %parallel_loop3A_139 = tpu.vector_load_idx %arg13[%parallel_loop3A_132] : memref<50000xf32, #tpu.memory_space<vmem>>[vector<16xi32>], vector<16xf32>,
      %parallel_loop3A_140 = tpu.vector_load_idx %arg14[%parallel_loop3A_132] : memref<50000xf32, #tpu.memory_space<vmem>>[vector<16xi32>], vector<16xf32>,
      %parallel_loop3A_141 = arith.constant 16 : i32
      %parallel_loop3A_142 = arith.muli %parallel_loop3A_120, %parallel_loop3A_141 : i32
      %parallel_loop3A_143 = arith.index_cast %parallel_loop3A_142 : i32 to index
      %parallel_loop3A_144 = tpu.vector_load %arg11[%parallel_loop3A_143] {strides = array<i32>} : memref<2000xf32, #tpu.memory_space<vmem>>, vector<16xf32>,
      %parallel_loop3A_145 = arith.subf %parallel_loop3A_139, %parallel_loop3A_133 : vector<16xf32>
      %parallel_loop3A_146 = arith.subf %parallel_loop3A_140, %parallel_loop3A_134 : vector<16xf32>
      %parallel_loop3A_147 = arith.subf %parallel_loop3A_144, %parallel_loop3A_138 : vector<16xf32>
      %parallel_loop3A_148 = arith.mulf %parallel_loop3A_145, %parallel_loop3A_145 : vector<16xf32>
      %parallel_loop3A_149 = arith.mulf %parallel_loop3A_146, %parallel_loop3A_146 : vector<16xf32>
      %parallel_loop3A_150 = arith.addf %parallel_loop3A_148, %parallel_loop3A_149 : vector<16xf32>
      %parallel_loop3A_151 = arith.mulf %parallel_loop3A_147, %parallel_loop3A_147 : vector<16xf32>
      %parallel_loop3A_152 = arith.addf %parallel_loop3A_150, %parallel_loop3A_151 : vector<16xf32>
      %parallel_loop3A_153 = arith.divf %broadcast_in_dim3A_19, %parallel_loop3A_152 : vector<16xf32>
      %parallel_loop3A_154 = arith.mulf %parallel_loop3A_153, %parallel_loop3A_153 : vector<16xf32>
      %parallel_loop3A_155 = arith.mulf %parallel_loop3A_154, %parallel_loop3A_153 : vector<16xf32>
      %parallel_loop3A_156 = arith.mulf %parallel_loop3A_155, %parallel_loop3A_155 : vector<16xf32>
      %parallel_loop3A_157 = arith.subf %parallel_loop3A_156, %parallel_loop3A_155 : vector<16xf32>
      %parallel_loop3A_158 = arith.mulf %broadcast_in_dim3A_21, %parallel_loop3A_157 : vector<16xf32>
      %parallel_loop3A_159 = arith.constant 16 : i32
      %parallel_loop3A_160 = arith.muli %parallel_loop3A_120, %parallel_loop3A_159 : i32
      %parallel_loop3A_161 = arith.index_cast %parallel_loop3A_160 : i32 to index
      %parallel_loop3A_162 = tpu.vector_load %arg15[%parallel_loop3A_161] {strides = array<i32>} : memref<2000xf32, #tpu.memory_space<vmem>>, vector<16xf32>,
      tpu.vector_store %arg15[%parallel_loop3A_161], %parallel_loop3A_158 {strides = array<i32>} : memref<2000xf32, #tpu.memory_space<vmem>>, vector<16xf32>,
    } {sc.loop_unroll_factor = 4 : i64, sc.parallel_access}
    %dma_start3A_100 = arith.constant 0 : i32
    %dma_start3A_101 = arith.constant 0 : i32
    %dma_start3A_102 = tpu.memref_slice %arg5[%dma_start3A_100, %dma_start3A_101] : memref<1x2000xi32, #tpu.memory_space<vmem>> -> memref<1x2000xi32, #tpu.memory_space<vmem>>
    %dma_start3A_103 = tpu.memref_squeeze %dma_start3A_102 : memref<1x2000xi32, #tpu.memory_space<vmem>> -> memref<2000xi32, #tpu.memory_space<vmem>>
    %dma_start3A_104 = arith.constant 0 : i32
    %dma_start3A_105 = tpu.memref_slice %arg18[%dma_start3A_104] : memref<50176xf32, #tpu.memory_space<vmem_shared>> -> memref<50176xf32, #tpu.memory_space<vmem_shared>>
    tpu.enqueue_indirect_dma source(%arg15 : memref<2000xf32, #tpu.memory_space<vmem>>) target(%dma_start3A_105 : memref<50176xf32, #tpu.memory_space<vmem_shared>>) offsets(%dma_start3A_103 : memref<2000xi32, #tpu.memory_space<vmem>>) semaphore(%arg24 : memref<!tpu.dma_semaphore, #tpu.memory_space<semaphore_mem>>) {add = true}
    %dma_wait3A_106 = arith.constant 0 : i32
    %dma_wait3A_107 = arith.constant 0 : i32
    %dma_wait3A_108 = tpu.memref_slice %arg5[%dma_wait3A_106, %dma_wait3A_107] : memref<1x2000xi32, #tpu.memory_space<vmem>> -> memref<1x2000xi32, #tpu.memory_space<vmem>>
    %dma_wait3A_109 = tpu.memref_squeeze %dma_wait3A_108 : memref<1x2000xi32, #tpu.memory_space<vmem>> -> memref<2000xi32, #tpu.memory_space<vmem>>
    %dma_wait3A_110 = arith.constant 0 : i32
    %dma_wait3A_111 = tpu.memref_slice %arg18[%dma_wait3A_110] : memref<50176xf32, #tpu.memory_space<vmem_shared>> -> memref<50176xf32, #tpu.memory_space<vmem_shared>>
    tpu.wait_indirect_dma semaphore(%arg24 : memref<!tpu.dma_semaphore, #tpu.memory_space<semaphore_mem>>) src(%arg15 : memref<2000xf32, #tpu.memory_space<vmem>>) dst(%dma_wait3A_111 : memref<50176xf32, #tpu.memory_space<vmem_shared>>)
    %barrier3A_112 = arith.constant 0 : index
    tpu.barrier barrier_id(%barrier3A_112)
    %mul3A_113 = arith.constant 3136 : i32
    %mul3A_114 = arith.muli %arg1, %mul3A_113 : i32
    "tpu.region"() ({
      %run_scoped3A_120 = tpu.sem_alloc : memref<!tpu.dma_semaphore, #tpu.memory_space<semaphore_mem>>
      %dma_start3A_121 = tpu.memref_slice %arg18[%mul3A_114] : memref<50176xf32, #tpu.memory_space<vmem_shared>> -> memref<3136xf32, #tpu.memory_space<vmem_shared>>
      %dma_start3A_122 = tpu.memref_slice %arg18[%mul3A_114] : memref<50176xf32, #tpu.memory_space<vmem_shared>> -> memref<3136xf32, #tpu.memory_space<vmem_shared>>
      tpu.enqueue_dma source(%dma_start3A_122 : memref<3136xf32, #tpu.memory_space<vmem_shared>>) target(%arg17 : memref<3136xf32, #tpu.memory_space<vmem>>) target_semaphore(%run_scoped3A_120 : memref<!tpu.dma_semaphore, #tpu.memory_space<semaphore_mem>>)
      %dma_wait3A_123 = tpu.memref_slice %arg18[%mul3A_114] : memref<50176xf32, #tpu.memory_space<vmem_shared>> -> memref<3136xf32, #tpu.memory_space<vmem_shared>>
      %dma_wait3A_124 = tpu.memref_slice %arg18[%mul3A_114] : memref<50176xf32, #tpu.memory_space<vmem_shared>> -> memref<3136xf32, #tpu.memory_space<vmem_shared>>
      tpu.wait_dma2 semaphore(%run_scoped3A_120 : memref<!tpu.dma_semaphore, #tpu.memory_space<semaphore_mem>>) src(%dma_wait3A_124 : memref<3136xf32, #tpu.memory_space<vmem_shared>>) dst(%arg17 : memref<3136xf32, #tpu.memory_space<vmem>>)
      tpu.yield
    }) : () -> ()
    %mul3A_115 = arith.constant 50176 : i32
    %mul3A_116 = arith.muli %arg0, %mul3A_115 : i32
    %mul3A_117 = arith.constant 3136 : i32
    %mul3A_118 = arith.muli %arg1, %mul3A_117 : i32
    %add3A_119 = arith.addi %mul3A_116, %mul3A_118 : i32
    "tpu.region"() ({
      %run_scoped3A_120 = tpu.sem_alloc : memref<!tpu.dma_semaphore, #tpu.memory_space<semaphore_mem>>
      %dma_start3A_121 = tpu.memref_slice %arg4[%add3A_119] : memref<100352xf32, #tpu.memory_space<hbm>> -> memref<3136xf32, #tpu.memory_space<hbm>>
      %dma_start3A_122 = tpu.memref_slice %arg4[%add3A_119] : memref<100352xf32, #tpu.memory_space<hbm>> -> memref<3136xf32, #tpu.memory_space<hbm>>
      tpu.enqueue_dma source(%arg17 : memref<3136xf32, #tpu.memory_space<vmem>>) target(%dma_start3A_122 : memref<3136xf32, #tpu.memory_space<hbm>>) target_semaphore(%run_scoped3A_120 : memref<!tpu.dma_semaphore, #tpu.memory_space<semaphore_mem>>)
      %dma_wait3A_123 = tpu.memref_slice %arg4[%add3A_119] : memref<100352xf32, #tpu.memory_space<hbm>> -> memref<3136xf32, #tpu.memory_space<hbm>>
      %dma_wait3A_124 = tpu.memref_slice %arg4[%add3A_119] : memref<100352xf32, #tpu.memory_space<hbm>> -> memref<3136xf32, #tpu.memory_space<hbm>>
      tpu.wait_dma2 semaphore(%run_scoped3A_120 : memref<!tpu.dma_semaphore, #tpu.memory_space<semaphore_mem>>) src(%arg17 : memref<3136xf32, #tpu.memory_space<vmem>>) dst(%dma_wait3A_124 : memref<3136xf32, #tpu.memory_space<hbm>>)
      tpu.yield
    }) : () -> ()
    return
  }
}

</mosaic_0001>

<sc_bundles>
// kernel: kernel.3.cloned.1.call-start
scs
__scs_entry_jumppad:
0x0: {  	(pc) =	sbr.rel $0x88, $3  }
0x1: {  	(tag) =	ssettag $0x0;
	lr =	simm.s32 $0x1  }
0x2: {  	[smem:$0x3F9F] =	sst lr;
	_ =	strace $0xD0000000  }
0x3: {  	_ = 	snop  }
0x4: {  	_ = 	snop  }
0x5: {  	_ = 	snop  }
0x6: {  	_ = 	snop  }
0x7: {  	_ = 	snop  }
__scs_overlays_trampoline_lowered:
0x8: {  	[smem:$0x3FAE] =	sst s0  }
0x9: {  	[smem:$0x3FAF] =	sst s1  }
0xa: {  	[smem:$0x3FB0] =	sst s2  }
0xb: {  	[smem:$0x3FB1] =	sst s3  }
0xc: {  	[smem:$0x3FB2] =	sst s4  }
0xd: {  	[smem:$0x3FB3] =	sst s5  }
0xe: {  	[smem:$0x3FB4] =	sst s6  }
0xf: {  	[smem:$0x3FB5] =	sst s7  }
0x10: {  	[smem:$0x3FB6] =	sst s8  }
0x11: {  	[smem:$0x3FB7] =	sst s9;
	s0 =	simm.s32 @!p0 $0x0  }
0x12: {  	s1 =	sld [smem:$0x3F9D];
	s0 =	simm.s32 @p0 $0x1  }
0x13: {  	[smem:$0x3FB8] =	sst s0;
	s0 =	simm.s32 @!p1 $0x0  }
0x14: {  	s2 =	sld [smem:$0x3F9C];
	s0 =	simm.s32 @p1 $0x1  }
0x15: {  	[smem:$0x3FB9] =	sst s0;
	s0 =	simm.s32 @!p2 $0x0  }
0x16: {  	s3 =	sld [smem:$0x3FDB];
	s0 =	simm.s32 @p2 $0x1  }
0x17: {  	s4 =	simm.s32 $0x1BF5;
	[smem:$0x3FBB] =	sst s0  }
0x18: {  	s0 =	sld [smem:$0x3F9E];
	_ =	swait.ge [sflag:s4], $0x0  }
0x19: {  	s7 =	sld [smem:$0x3F9F]  }
0x1a: {  	s8 =	sadd.s32 $0xFFFFE003, lr  }
0x1b: {  	s9 =	sadd.s32 $0xFFFFFEF7, lr;
	s5 =	simm.s32 $0xFFFFFFFF;
	p2 =	slt.u32 s8, $0xFFFFF086  }
0x1c: {  	p1 =	slt.u32 s9, $0xF7A;
	s5 =	simm.s32 @!p2 $0x0  }
0x1d: {  	s5 =	simm.s32 @p1 $0x1;
	p0 =	seq.s32 s7, s2  }
0x1e: {  	s7 =	smul.u32 @!p0 $0xF7A, s2;
	p2 =	seq.s32 @!p0 s5, $0x0  }
0x1f: {  	s9 =	smul.u32 $0xF7A, s1;
	s8 =	simm.s32 @!p0 $0x1BF5;
	p2 =	por !p2, p0  }
0x20: {  	[sflag:s8] =	ssyncset.s32 @!p0 $0xFFFFF086;
	s6 =	sadd.s32 @!p0 s3, s7;
	s7 =	simm.s32 @!p0 $0x108  }
0x21: {  	s3 =	sadd.s32 s3, s9;
	s6 =	sadd.s32 @!p0 $0x88, s6;
	s7 =	simm.s32 @p2 $0x1082  }
0x22: {  	[simem:s7], [sflag:s8] =	dma.local @!p0 [hbm:s6], $0xF7A  }
0x23: {  	s9 =	sor.u32 $0xD0000000, s2;
	s6 =	simm.s32 $0x108;
	_ =	swait.ge @!p0 [sflag:s8], $0x0  }
0x24: {  	s3 =	sadd.s32 $0x88, s3;
	s6 =	simm.s32 @!p1 $0x1082;
	[sflag:s4] =	ssyncset.s32 $0xFFFFF086  }
0x25: {  	[simem:s6], [sflag:s4] =	dma.local [hbm:s3], $0xF7A  }
0x26: {  	[smem:$0x3F9F] =	sst s1;
	(tag) =	ssettag s2;
	_ =	strace s9  }
0x27: {  	s1 =	sld [smem:$0x3FAF]  }
0x28: {  	s2 =	sld [smem:$0x3FB0]  }
0x29: {  	s4 =	sld [smem:$0x3FB2]  }
0x2a: {  	p0 =	seq.s32 s5, $0x0;
	s5 =	sld [smem:$0x3FB3]  }
0x2b: {  	s6 =	sld [smem:$0x3FB4]  }
0x2c: {  	s7 =	sld [smem:$0x3FB5]  }
0x2d: {  	s3 =	simm.s32 $0x108;
	s8 =	sld [smem:$0x3FB6]  }
0x2e: {  	s3 =	simm.s32 @!p0 $0x1082;
	s9 =	sld [smem:$0x3FB7]  }
0x2f: {  	lr =	sadd.s32 s0, s3;
	s0 =	sld [smem:$0x3FAE]  }
0x30: {  	s3 =	sld [smem:$0x3FB1]  }
0x31: {  	[smem:$0x3FBA] =	sst s10  }
0x32: {  	s10 =	sld [smem:$0x3FB8];
	_ =	sdelay $0x3  }
0x33: {  	p0 =	seq.s32 s10, $0x1;
	s10 =	sld [smem:$0x3FBA];
	_ =	sdelay $0x3  }
0x34: {  	[smem:$0x3FBA] =	sst s10  }
0x35: {  	s10 =	sld [smem:$0x3FB9];
	_ =	sdelay $0x3  }
0x36: {  	p1 =	seq.s32 s10, $0x1;
	s10 =	sld [smem:$0x3FBA];
	_ =	sdelay $0x3  }
0x37: {  	[smem:$0x3FBA] =	sst s10  }
0x38: {  	s10 =	sld [smem:$0x3FBB]  }
0x39: {  	_ = 	snop;
	(pc) =	sbr.ind lr, $3  }
0x3a: {  	_ = 	snop  }
0x3b: {  	_ = 	snop  }
0x3c: {  	p2 =	seq.s32 s10, $0x1;
	s10 =	sld [smem:$0x3FBA]  }
0x3d: {  	_ =	shalt  }
0x3e: {  	_ =	shalt  }
0x3f: {  	_ =	shalt  }
0x40: {  	_ =	shalt  }
0x41: {  	_ =	shalt  }
0x42: {  	_ =	shalt  }
0x43: {  	_ =	shalt  }
0x44: {  	_ =	shalt  }
0x45: {  	_ =	shalt  }
0x46: {  	_ =	shalt  }
0x47: {  	_ =	shalt  }
0x48: {  	_ =	shalt  }
0x49: {  	_ =	shalt  }
0x4a: {  	_ =	shalt  }
0x4b: {  	_ =	shalt  }
0x4c: {  	_ =	shalt  }
0x4d: {  	_ =	shalt  }
0x4e: {  	_ =	shalt  }
0x4f: {  	_ =	shalt  }
0x50: {  	_ =	shalt  }
0x51: {  	_ =	shalt  }
0x52: {  	_ =	shalt  }
0x53: {  	_ =	shalt  }
0x54: {  	_ =	shalt  }
0x55: {  	_ =	shalt  }
0x56: {  	_ =	shalt  }
0x57: {  	_ =	shalt  }
0x58: {  	_ =	shalt  }
0x59: {  	_ =	shalt  }
0x5a: {  	_ =	shalt  }
0x5b: {  	_ =	shalt  }
0x5c: {  	_ =	shalt  }
0x5d: {  	_ =	shalt  }
0x5e: {  	_ =	shalt  }
0x5f: {  	_ =	shalt  }
0x60: {  	_ =	shalt  }
0x61: {  	_ =	shalt  }
0x62: {  	_ =	shalt  }
0x63: {  	_ =	shalt  }
0x64: {  	_ =	shalt  }
0x65: {  	_ =	shalt  }
0x66: {  	_ =	shalt  }
0x67: {  	_ =	shalt  }
0x68: {  	_ =	shalt  }
0x69: {  	_ =	shalt  }
0x6a: {  	_ =	shalt  }
0x6b: {  	_ =	shalt  }
0x6c: {  	_ =	shalt  }
0x6d: {  	_ =	shalt  }
0x6e: {  	_ =	shalt  }
0x6f: {  	_ =	shalt  }
0x70: {  	_ =	shalt  }
0x71: {  	_ =	shalt  }
0x72: {  	_ =	shalt  }
0x73: {  	_ =	shalt  }
0x74: {  	_ =	shalt  }
0x75: {  	_ =	shalt  }
0x76: {  	_ =	shalt  }
0x77: {  	_ =	shalt  }
0x78: {  	_ =	shalt  }
0x79: {  	_ =	shalt  }
0x7a: {  	_ =	shalt  }
0x7b: {  	_ =	shalt  }
0x7c: {  	_ =	shalt  }
0x7d: {  	_ =	shalt  }
0x7e: {  	_ =	shalt  }
0x7f: {  	_ =	shalt  }
0x80: {  	_ =	shalt  }
0x81: {  	_ =	shalt  }
0x82: {  	_ =	shalt  }
0x83: {  	_ =	shalt  }
0x84: {  	_ =	shalt  }
0x85: {  	_ =	shalt  }
0x86: {  	_ =	shalt  }
0x87: {  	_ =	shalt  }
.Lfunc_end0:
.L_simem_size_0:
called_computation_lowered:
.L_overlay_start_0:
0x88: {  	s2 =	sld [smem:$0x3FD9]  }
0x89: {  	s3 =	sld [smem:$0x3FFE];
	_ =	sdelay $0x1  }
0x8a: {  	s1 =	srdreg.scid  }
0x8b: {  	s0 =	sand.u32 $0x1, s1  }
0x8c: {  	s16 =	sshll.u32 s0, $0xA;
	s2 =	sadd.s32 s3, s2  }
0x8d: {  	s2 =	sadd.s32 s2, s16  }
0x8e: {  	[smem:$0x3FC6] =	sst s2  }
0x8f: {  	_ = 	snop  }
0x90: {  	(tm) =	ssettm $0x1  }
0x91: {  	s17 =	sld [smem:$0x3FFB];
	_ =	sdelay $0x3  }
0x92: {  	_ =	strace s17  }
0x93: {  	s2 =	sld [smem:$0x3FFC];
	_ =	sdelay $0x3  }
0x94: {  	_ =	strace s2  }
0x95: {  	s2 =	sld [smem:$0x3FFD];
	_ =	sdelay $0x3  }
0x96: {  	_ =	strace s2  }
0x97: {  	_ =	strace $0x8FFFFFFF  }
0x98: {  	s18 =	sld [smem:$0x3FDB];
	_ =	sdelay $0x1  }
0x99: {  	s19 =	simm.s32 $_scs_section_size  }
0x9a: {  	s4 =	simm.s32 $_size__tile_overlayer_lowered;
	s5 =	simm.s32 $_tile_overlayer_lowered  }
0x9b: {  	s22 =	simm.s32 $0x1BFF;
	s21 =	sshll.u32 s5, $0x1;
	s2 =	sadd.s32 s19, s18  }
0x9c: {  	s6 =	simm.s32 $0x0;
	s20 =	sshll.u32 s4, $0x1;
	s4 =	sadd.s32 s21, s2  }
0x9d: {  	[timem:s6], [sflag:s22] =	dma.local [hbm:s4], s20  }
0x9e: {  	_ =	swait.ge [sflag:s22], s20  }
0x9f: {  	s3 =	ssub.s32 $0x0, s20;
	[sflag:s22] =	ssyncset.done $0x0  }
0xa0: {  	[sflag:s22] =	ssyncadd.s32 s3;
	_ =	sdelay $0x1  }
0xa1: {  	s23 =	simm.s32 $0x1B8B  }
0xa2: {  	_ =	swait.ge [sflag:s23], $0x1  }
0xa3: {  	[sflag:s23] =	ssyncset.done $0x0  }
0xa4: {  	s25 =	simm.s32 $0x1B8E;
	s24 =	sld [smem:$0x3FFE];
	[sflag:s23] =	ssyncadd.s32 $0xFFFFFFFF  }
0xa5: {  	s26 =	simm.s32 $execute0_lowered;
	[smem:$0x3FD2] =	sst s25  }
0xa6: {  	s4 =	sshll.u32 s26, $0x1;
	_ =	strace $0x80000046;
	[dreg:$0x1] =	wrdreg $0xFFFFFFFF  }
0xa7: {  	s28 =	simm.s32 $_size_execute0_lowered;
	s2 =	sadd.s32 s2, s4;
	[dreg:$0x0] =	wrdreg $0x0  }
0xa8: {  	s4 =	sshll.u32 s28, $0x1;
	[dreg:$0x2] =	wrdreg s2  }
0xa9: {  	[dreg:$0x3] =	wrdreg s4  }
0xaa: {  	[dreg:$0x4] =	wrdreg $0xC0  }
0xab: {  	_ =	task [dreg:s6], $0x5FFFF  }
0xac: {  	[dreg:$0x1] =	wrdreg $0xFFFFFFFF  }
0xad: {  	[dreg:$0x0] =	wrdreg $0x60  }
0xae: {  	[dreg:$0x2] =	wrdreg s24  }
0xaf: {  	[dreg:$0x3] =	wrdreg $0x1E1000  }
0xb0: {  	[dreg:$0x4] =	wrdreg $0x1ED400  }
0xb1: {  	[dreg:$0x5] =	wrdreg $0x9  }
0xb2: {  	_ =	task.clear_ibuf [dreg:s6], $0x6FFFF;
	_ =	strace $0x90000046  }
0xb3: {  	s29 =	simm.s32 $0x9;
	_ =	strace $0x80000048  }
0xb4: {  	_ =	swait.ge [sflag:s29], $0x1  }
0xb5: {  	[sflag:s29] =	ssyncadd.s32 $0xFFFFFFFF  }
0xb6: {  	_ =	strace $0x90000048  }
0xb7: {  	_ =	sfence  }
0xb8: {  	s30 =	sld [smem:$0x0];
	_ =	sdelay $0x2  }
0xb9: {  	s31 =	sshll.u32 s1, $0xD;
	s1 =	sshrl.u32 s1, $0x2  }
0xba: {  	s3 =	sand.u32 $0x4000, s31;
	s1 =	sadd.s32 s1, s30  }
0xbb: {  	s0 =	sor.u32 s3, s0;
	s1 =	sshll.u32 s1, $0x11  }
0xbc: {  	s0 =	sor.u32 s1, s0  }
0xbd: {  	s0 =	sadd.s32 $0x8F2B, s0  }
0xbe: {  	[sflag:s0] =	ssyncadd.remote.s32 $0x1  }
0xbf: {  	_ =	sfence.sel $0xFFFF  }
0xc0: {  	[dreg:$0x0] =	wrdreg $0xFFFFFFFF;
	(pc) =	sbr.abs _section_cstart, $3  }
0xc1: {  	[dreg:$0x1] =	wrdreg $0xFFFFFFFF  }
0xc2: {  	_ =	task.clear_ibuf [dreg:s6], $0x2FFFF;
	_ =	strace $0x9FFFFFFF  }
0xc3: {  	(tm) =	ssettm $0x7FFFFFFF  }
tec
execute0_lowered:
.L_overlay_start_1:
0x0: {  	(tag) =	ssettag $0x1  }
0x1: {  	s0 =	rddreg [dreg:$0x0]  }
0x2: {  	s1 =	rddreg [dreg:$0x1]  }
0x3: {  	s2 =	rddreg [dreg:$0x2]  }
0x4: {  	s4 =	srdreg.scid;
	s6 =	stileid.u32  }
0x5: {  	s3 =	simm.s32 $0x0;
	s16 =	simm.s32 $0x7;
	s17 =	simm.s32 $0x3E80  }
0x6: {  	s18 =	simm.s32 $0x101D0;
	s20 =	simm.s32 $0xFA0;
	s21 =	simm.s32 $0x1  }
0x7: {  	s28 =	simm.s32 $0x2710;
	s29 =	simm.s32 $0x36B0;
	s30 =	simm.s32 $0x3  }
0x8: {  	s31 =	simm.s32 $0x1C520;
	s4 =	sand.u32 $0x1, s4;
	s7 =	smul.u32 $0xC40, s6  }
0x9: {  	[smem:$0x7FF] =	sst s3;
	s9 =	sadd.s32 $0x400, s0;
	s11 =	sadd.s32 $0x1C6A, s0  }
0xa: {  	p0 =	sne.s32 s6, $0x0;
	s5 =	smul.u32 $0xC400, s4;
	_ =	strace $0x80000047  }
0xb: {  	s8 =	sshll.u32 s4, $0x4;
	[dreg:$0x4] =	wrdreg s9;
	s4 =	ssub.s32 $0x2, s4  }
0xc: {  	[dreg:$0x6] =	wrdreg s11;
	s8 =	sor.u32 s6, s8;
	s10 =	sshrl.u32 s4, $0x1  }
0xd: {  	s5 =	sadd.s32 s7, s5;
	s8 =	smul.u32 $0xC350, s8;
	s4 =	ssub.s32 s4, s10  }
0xe: {  	s10 =	sadd.s32 s7, s1;
	s7 =	simm.s32 $0x1CCF0;
	s22 =	sshrl.u32 s5, $0x3  }
0xf: {  	s5 =	sadd.s32 $0x4E00, s0;
	s26 =	smax.u32 s4, $0x1;
	s4 =	simm.s32 $0x4  }
0x10: {  	[dreg:$0x5] =	wrdreg s10;
	s9 =	sadd.s32 s22, s0;
	s23 =	sshrl.u32 s8, $0x3  }
0x11: {  	s0 =	sadd.s32 $0x34D4, s0;
	s11 =	sadd.s32 $0x7D0, s8;
	s12 =	sadd.s32 $0xFA0, s8  }
0x12: {  	[dreg:$0xb] =	wrdreg s26;
	s22 =	simm.s32 $0x7D0;
	s26 =	simm.s32 $0x2  }
0x13: {  	s8 =	simm.s32 $0x0;
	[dreg:$0x7] =	wrdreg s0;
	s24 =	sadd.s32 s5, s23  }
0x14: {  	s25 =	sadd.s32 $0x66A00, s9;
	s9 =	simm.s32 $0x1D4C0;
	[dreg:$0x8] =	wrdreg s24  }
0x15: {  	s23 =	simm.s32 $0x1F40;
	s0 =	sadd.s32 $0x30D40, s24;
	[dreg:$0xa] =	wrdreg s25  }
0x16: {  	s24 =	simm.s32 $0x2EE0;
	[dreg:$0x9] =	wrdreg s0;
	s0 =	sshrl.u32 @!p0 s2, $0x3  }
0x17: {  	v0 =	vimm.f32 $0.0e+00;
	s25 =	simm.s32 $0x1770;
	[dreg:$0xc] =	wrdreg s0;
	s0 =	simm.s32 $0x5  }
.LBB2_1:
0x18: {  	[dreg:$0xd] =	wrdreg s8;
	s6 =	simm.s32 $0x40;
	s8 =	simm.s32 $0x0  }
.LBB2_2:
0x19: {  	p1 =	sne.s32 s6, $0x30C0;
	[tilespmem:s8+$0x1D4C0] =	vst v0;
	s8 =	smov.u32 s6;
	s6 =	sadd.s32 $0x40, s6  }
.Ltmp0:
0x1a: {  	(pc) =	sbr.rel @p1 .LBB2_2-.Ltmp0, $2  }
0x1b: {  	_ =	sdelay $0x2  }
0x1c: {  	s8 =	sshra.s32 s8, $0x2  }
0x1d: {  	[tilespmem:s8+$0x1D4C0] =	vst v0  }
0x1e: {  	[spmem:s10] =	stream.linear.scatter [tilespmem:s9], [sflag:$0x7], $0xC40, $0x38;
	[tilespmem:$0x1F978] =	vst v63  }
0x1f: {  	_ =	swait.ge [sflag:s16], $0xC40  }
0x20: {  	[sflag:s16] =	ssyncset.done $0x0  }
0x21: {  	s6 =	rddreg [dreg:$0x4];
	[sflag:s16] =	ssyncadd.s32 $0xFFFFF3C0  }
0x22: {  	[tilespmem:s17], [sflag:$0x7] =	stream.linear.gather [hbm4b:s6+s3], $0xC350, $0x38;
	[tilespmem:$0x1F978] =	vst v63  }
0x23: {  	_ =	swait.ge [sflag:s16], $0xC350  }
0x24: {  	[sflag:s16] =	ssyncset.done $0x0  }
0x25: {  	s14 =	rddreg [dreg:$0x6];
	[sflag:s16] =	ssyncadd.s32 $0xFFFF3CB0  }
0x26: {  	[tilespmem:s18], [sflag:$0x7] =	stream.linear.gather [hbm4b:s14+s3], $0xC350, $0x38;
	[tilespmem:$0x1F978] =	vst v63  }
0x27: {  	_ =	swait.ge [sflag:s16], $0xC350  }
0x28: {  	[sflag:s16] =	ssyncset.done $0x0;
	s8 =	rddreg [dreg:$0x7]  }
0x29: {  	s6 =	simm.s32 @!p0 $0x1C07;
	s9 =	rddreg [dreg:$0xc];
	[sflag:s16] =	ssyncadd.s32 $0xFFFF3CB0  }
0x2a: {  	[spmem:s9], [sflag:s6] =	dma.local @!p0 [hbm:s8], $0x186A  }
0x2b: {  	s6 =	simm.s32 @!p0 $0x7  }
0x2c: {  	_ =	swait.ge @!p0 [sflag:s6], $0x186A  }
0x2d: {  	[sflag:s6] =	ssyncset.done @!p0 $0x0  }
0x2e: {  	[sflag:s6] =	ssyncadd.s32 @!p0 $0xFFFFE796  }
0x2f: {  	[bflag:$0x0] =	sbarrier.arrive $0xFFFF  }
0x30: {  	s13 =	simm.s32 $0x0;
	s15 =	rddreg [dreg:$0x8]  }
0x31: {  	[tilespmem:s13], [sflag:$0x1] =	stream.linear.gather [hbm4b:s15+s13], $0x7D0, $0x38;
	[tilespmem:$0x1F978] =	vst v63  }
0x32: {  	s19 =	rddreg [dreg:$0x9]  }
0x33: {  	[tilespmem:s20], [sflag:$0x1] =	stream.linear.gather [hbm4b:s19+s13], $0x7D0, $0x38;
	[tilespmem:$0x1F978] =	vst v63  }
0x34: {  	_ =	swait.ge [sflag:s21], $0x7D0  }
0x35: {  	[sflag:s21] =	ssyncset.done $0x0  }
0x36: {  	[sflag:s21] =	ssyncadd.s32 $0xFFFFF830  }
0x37: {  	_ =	swait.ge [sflag:s21], $0x7D0  }
0x38: {  	[sflag:s21] =	ssyncset.done $0x0  }
0x39: {  	[sflag:s21] =	ssyncadd.s32 $0xFFFFF830  }
0x3a: {  	[tilespmem:s23], [sflag:$0x3] =	stream.indirect.gather [spmem:s2], $0x1, s13, s22, $0xb8;
	[tilespmem:$0x1F978] =	vst v63  }
0x3b: {  	_ = 	snop  }
0x3c: {  	[tilespmem:s24], [sflag:$0x3] =	stream.indirect.gather [spmem:s2], $0x1, s20, s22, $0xb8;
	[tilespmem:$0x1F978] =	vst v63  }
.LBB2_4:
0x3d: {  	p1 =	seq.s32 s13, $0x0;
	s14 =	smul.u32 $0xFA0, s13  }
0x3e: {  	s6 =	simm.s32 @!p1 $0x6  }
0x3f: {  	_ =	swait.ge @!p1 [sflag:s6], $0x7D0;
	s8 =	sadd.s32 s14, s11  }
0x40: {  	[sflag:s6] =	ssyncset.done @!p1 $0x0;
	s8 =	sshrl.u32 s8, $0x3  }
0x41: {  	[sflag:s6] =	ssyncadd.s32 @!p1 $0xFFFFF830;
	s10 =	sadd.s32 s5, s8  }
0x42: {  	[tilespmem:s22], [sflag:$0x2] =	stream.linear.gather [hbm4b:s10+s3], $0x7D0, $0x38;
	[tilespmem:$0x1F978] =	vst v63  }
0x43: {  	s6 =	sadd.s32 $0x30D40, s10  }
0x44: {  	[tilespmem:s25], [sflag:$0x2] =	stream.linear.gather [hbm4b:s6+s3], $0x7D0, $0x38;
	[tilespmem:$0x1F978] =	vst v63  }
0x45: {  	_ =	swait.ge [sflag:s26], $0x7D0  }
0x46: {  	[sflag:s26] =	ssyncset.done $0x0  }
0x47: {  	[sflag:s26] =	ssyncadd.s32 $0xFFFFF830  }
0x48: {  	_ =	swait.ge [sflag:s26], $0x7D0  }
0x49: {  	[sflag:s26] =	ssyncset.done $0x0  }
0x4a: {  	[sflag:s26] =	ssyncadd.s32 $0xFFFFF830  }
0x4b: {  	[tilespmem:s28], [sflag:$0x4] =	stream.indirect.gather [spmem:s2], $0x1, s22, s22, $0xb8;
	[tilespmem:$0x1F978] =	vst v63  }
0x4c: {  	_ = 	snop  }
0x4d: {  	[tilespmem:s29], [sflag:$0x4] =	stream.indirect.gather [spmem:s2], $0x1, s25, s22, $0xb8;
	[tilespmem:$0x1F978] =	vst v63  }
0x4e: {  	_ =	swait.ge [sflag:s30], $0x7D0  }
0x4f: {  	[sflag:s30] =	ssyncset.done $0x0  }
0x50: {  	[sflag:s30] =	ssyncadd.s32 $0xFFFFF830  }
0x51: {  	_ =	swait.ge [sflag:s30], $0x7D0  }
0x52: {  	[sflag:s30] =	ssyncset.done $0x0  }
0x53: {  	s15 =	simm.s32 $0x20;
	[sflag:s30] =	ssyncadd.s32 $0xFFFFF830  }
0x54: {  	v1 =	vld [tilespmem:s15+$0x10]  }
0x55: {  	s19 =	simm.s32 $0xFC0;
	v2 =	vld [tilespmem:s15+$0xFFFFFFF0]  }
0x56: {  	v3 =	vld [tilespmem:s19+$0x10]  }
0x57: {  	s9 =	simm.s32 $0x1F60;
	v4 =	vld [tilespmem:s19+$0xFFFFFFE0]  }
0x58: {  	s10 =	simm.s32 $0x2F00;
	v12 =	vld [tilespmem:s9+$0x10]  }
0x59: {  	v13 =	vld [tilespmem:s10+$0x10]  }
0x5a: {  	v5 =	vld [tilespmem:s19+$0xFFFFFFF0]  }
0x5b: {  	v6 =	vld [tilespmem:s15+$0x0]  }
0x5c: {  	v8 =	vld [tilespmem:s15+$0xFFFFFFE0]  }
0x5d: {  	v7 =	vld [tilespmem:s19+$0x0]  }
0x5e: {  	v12 =	vsub.f32 v13, v12;
	v13 =	vld [tilespmem:s9+$0xFFFFFFF0]  }
0x5f: {  	v9 =	vld.idx.msk [tilespmem:v1+s17+$0x0], $0xffff  }
0x60: {  	v1 =	vld.idx.msk [tilespmem:v1+s18+$0x0], $0xffff  }
0x61: {  	v10 =	vld.idx.msk [tilespmem:v3+s17+$0x0], $0xffff  }
0x62: {  	v3 =	vld.idx.msk [tilespmem:v3+s18+$0x0], $0xffff  }
0x63: {  	v11 =	vld.idx.msk [tilespmem:v4+s17+$0x0], $0xffff  }
0x64: {  	v14 =	vld.idx.msk [tilespmem:v8+s17+$0x0], $0xffff  }
0x65: {  	v8 =	vld.idx.msk [tilespmem:v8+s18+$0x0], $0xffff  }
0x66: {  	v4 =	vld.idx.msk [tilespmem:v4+s18+$0x0], $0xffff  }
0x67: {  	v15 =	vld.idx.msk [tilespmem:v2+s17+$0x0], $0xffff  }
0x68: {  	v2 =	vld.idx.msk [tilespmem:v2+s18+$0x0], $0xffff  }
0x69: {  	v16 =	vld.idx.msk [tilespmem:v5+s17+$0x0], $0xffff  }
0x6a: {  	v5 =	vld.idx.msk [tilespmem:v5+s18+$0x0], $0xffff  }
0x6b: {  	v17 =	vld.idx.msk [tilespmem:v6+s17+$0x0], $0xffff  }
0x6c: {  	v6 =	vld.idx.msk [tilespmem:v6+s18+$0x0], $0xffff  }
0x6d: {  	v18 =	vld.idx.msk [tilespmem:v7+s17+$0x0], $0xffff  }
0x6e: {  	v7 =	vld.idx.msk [tilespmem:v7+s18+$0x0], $0xffff  }
0x6f: {  	v9 =	vsub.f32 v10, v9;
	v1 =	vsub.f32 v3, v1;
	v3 =	vld [tilespmem:s9+$0xFFFFFFE0]  }
0x70: {  	v10 =	vld [tilespmem:s10+$0xFFFFFFE0];
	v11 =	vsub.f32 v11, v14;
	v4 =	vsub.f32 v4, v8  }
0x71: {  	v8 =	vld [tilespmem:s10+$0xFFFFFFF0];
	v9 =	vmul.f32 v9, v9;
	v1 =	vmul.f32 v1, v1  }
0x72: {  	s19 =	simm.s32 $0x1000;
	v14 =	vld [tilespmem:s10+$0x0];
	v11 =	vmul.f32 v11, v11;
	v4 =	vmul.f32 v4, v4  }
0x73: {  	v6 =	vsub.f32 v7, v6;
	v7 =	vld [tilespmem:s19+$0xFFFFFFE0];
	v1 =	vadd.f32 v1, v9;
	v9 =	vmul.f32 v12, v12  }
0x74: {  	v12 =	vld [tilespmem:s9+$0x0];
	v4 =	vadd.f32 v4, v11  }
0x75: {  	s15 =	simm.s32 $0x60;
	v11 =	vld [tilespmem:s19+$0xFFFFFFF0];
	v3 =	vsub.f32 v10, v3;
	v1 =	vadd.f32 v9, v1  }
0x76: {  	v9 =	vsub.f32 v16, v15;
	v15 =	vld [tilespmem:s15+$0x10]  }
0x77: {  	v3 =	vmul.f32 v3, v3;
	(erf) = vrcp.f32 v1;
	v1 =	vsub.f32 v5, v2;
	v5 =	vld [tilespmem:s19+$0x10]  }
0x78: {  	s9 =	simm.s32 $0x1FA0;
	v10 =	vld [tilespmem:s15+$0xFFFFFFF0];
	v8 =	vsub.f32 v8, v13;
	v2 =	vsub.f32 v18, v17  }
0x79: {  	v13 =	vld [tilespmem:s9+$0x10];
	v9 =	vmul.f32 v9, v9;
	v3 =	vadd.f32 v3, v4;
	v1 =	vmul.f32 v1, v1  }
0x7a: {  	v6 =	vmul.f32 v6, v6;
	v4 =	vsub.f32 v14, v12;
	v12 =	vld [tilespmem:s15+$0x0];
	v2 =	vmul.f32 v2, v2  }
0x7b: {  	v8 =	vmul.f32 v8, v8;
	(erf) = vrcp.f32 v3;
	v3 =	vld [tilespmem:s15+$0xFFFFFFE0];
	v1 =	vadd.f32 v1, v9  }
0x7c: {  	v4 =	vmul.f32 v4, v4;
	s15 =	simm.s32 $0x2F40;
	v9 =	vld [tilespmem:s19+$0x0];
	v2 =	vadd.f32 v6, v2  }
0x7d: {  	v14 =	vld [tilespmem:s15+$0x10];
	v1 =	vadd.f32 v8, v1  }
0x7e: {  	v6 =	vld.idx.msk [tilespmem:v15+s17+$0x0], $0xffff;
	v2 =	vadd.f32 v4, v2  }
0x7f: {  	(erf) = vrcp.f32 v1;
	v1 =	vld.idx.msk [tilespmem:v5+s17+$0x0], $0xffff  }
0x80: {  	(erf) = vrcp.f32 v2;
	v2 =	vld.idx.msk [tilespmem:v5+s18+$0x0], $0xffff;
	v5 =	vpop (erf)  }
0x81: {  	v4 =	vld.idx.msk [tilespmem:v15+s18+$0x0], $0xffff;
	v5 =	vmul.f32 $9.999999740e-05, v5  }
0x82: {  	v8 =	vld.idx.msk [tilespmem:v7+s17+$0x0], $0xffff  }
0x83: {  	v7 =	vld.idx.msk [tilespmem:v7+s18+$0x0], $0xffff;
	v15 =	vmul.f32 v5, v5  }
0x84: {  	v13 =	vsub.f32 v14, v13;
	v56 =	vld.idx.msk [tilespmem:v3+s17+$0x0], $0xffff  }
0x85: {  	v3 =	vld.idx.msk [tilespmem:v3+s18+$0x0], $0xffff;
	v57 =	vpop (erf);
	v1 =	vsub.f32 v1, v6;
	v5 =	vmul.f32 v15, v5  }
0x86: {  	v13 =	vmul.f32 v13, v13;
	v15 =	vmul.f32 $9.999999740e-05, v57;
	v2 =	vsub.f32 v2, v4  }
0x87: {  	v19 =	vld.idx.msk [tilespmem:v11+s17+$0x0], $0xffff;
	v1 =	vmul.f32 v1, v1;
	v58 =	vmul.f32 v5, v5  }
0x88: {  	v6 =	vld.idx.msk [tilespmem:v10+s17+$0x0], $0xffff;
	v59 =	vmul.f32 v15, v15;
	v2 =	vmul.f32 v2, v2;
	v4 =	vpop (erf)  }
0x89: {  	v11 =	vld.idx.msk [tilespmem:v11+s18+$0x0], $0xffff;
	v8 =	vsub.f32 v8, v56;
	v4 =	vmul.f32 $9.999999740e-05, v4;
	v5 =	vsub.f32 v58, v5  }
0x8a: {  	v10 =	vld.idx.msk [tilespmem:v10+s18+$0x0], $0xffff;
	v3 =	vsub.f32 v7, v3;
	v14 =	vpop (erf);
	v1 =	vadd.f32 v2, v1;
	v2 =	vmul.f32 v59, v15  }
0x8b: {  	v61 =	vld.idx.msk [tilespmem:v12+s17+$0x0], $0xffff;
	v14 =	vmul.f32 $9.999999740e-05, v14;
	v60 =	vmul.f32 v4, v4;
	v20 =	vadd.f32 v5, v5  }
0x8c: {  	v62 =	vld.idx.msk [tilespmem:v12+s18+$0x0], $0xffff;
	v5 =	vmul.f32 v8, v8;
	v13 =	vadd.f32 v13, v1;
	v1 =	vmul.f32 v3, v3  }
0x8d: {  	v12 =	vld.idx.msk [tilespmem:v9+s17+$0x0], $0xffff;
	v3 =	vsub.f32 v19, v6;
	v6 =	vmul.f32 v2, v2;
	v15 =	vmul.f32 v14, v14  }
0x8e: {  	v8 =	vmul.f32 v60, v4;
	v4 =	vld [tilespmem:s9+$0xFFFFFFE0];
	(erf) = vrcp.f32 v13  }
0x8f: {  	v11 =	vsub.f32 v11, v10;
	v14 =	vmul.f32 v15, v14;
	v15 =	vld.idx.msk [tilespmem:v9+s18+$0x0], $0xffff  }
0x90: {  	v1 =	vadd.f32 v1, v5;
	v21 =	vmul.f32 v3, v3;
	v5 =	vsub.f32 v6, v2;
	v9 =	vld [tilespmem:s15+$0xFFFFFFE0]  }
0x91: {  	v7 =	vld [tilespmem:s9+$0xFFFFFFF0];
	v6 =	vmul.f32 v11, v11;
	v17 =	vmul.f32 v8, v8  }
0x92: {  	v12 =	vsub.f32 v12, v61;
	v10 =	vld [tilespmem:s15+$0xFFFFFFF0];
	v5 =	vadd.f32 v5, v5;
	v63 =	vmul.f32 v14, v14  }
0x93: {  	s8 =	simm.s32 $0x1C540;
	v11 =	vld [tilespmem:s15+$0x0];
	v6 =	vadd.f32 v6, v21;
	v3 =	vsub.f32 v17, v8  }
0x94: {  	s6 =	simm.s32 $0x4;
	s10 =	simm.s32 $0xA0;
	[tilespmem:s8+$0x10] =	vst v20;
	v8 =	vld [tilespmem:s9+$0x0];
	v2 =	vsub.f32 v63, v14;
	v13 =	vsub.f32 v15, v62  }
.LBB2_5:
0x95: {  	v14 =	vld [tilespmem:s10+$0x10];
	v4 =	vsub.f32 v9, v4;
	v9 =	vmul.f32 v12, v12;
	[tilespmem:s8+$0xFFFFFFE0] =	vst v5;
	v3 =	vadd.f32 v3, v3  }
0x96: {  	s19 =	sadd.s32 $0x40, s19;
	v2 =	vadd.f32 v2, v2;
	v5 =	vld [tilespmem:s10+$0xFFFFFFF0];
	v12 =	vmul.f32 v13, v13  }
0x97: {  	v13 =	vld [tilespmem:s19+$0x10];
	v4 =	vmul.f32 v4, v4;
	v7 =	vsub.f32 v10, v7;
	v10 =	vpop (erf);
	[tilespmem:s8+$0xFFFFFFF0] =	vst v3  }
0x98: {  	s6 =	sadd.s32 $0x4, s6;
	v3 =	vld [tilespmem:s19+$0xFFFFFFE0];
	v9 =	vadd.f32 v12, v9;
	v10 =	vmul.f32 $9.999999740e-05, v10;
	[tilespmem:s8+$0x0] =	vst v2  }
0x99: {  	p1 =	slt.u32 s6, $0x78;
	v2 =	vld [tilespmem:s19+$0xFFFFFFF0];
	v1 =	vadd.f32 v4, v1;
	v4 =	vmul.f32 v7, v7;
	v7 =	vsub.f32 v11, v8  }
0x9a: {  	v8 =	vld [tilespmem:s10+$0x0];
	v11 =	vmul.f32 v10, v10  }
0x9b: {  	v12 =	vld [tilespmem:s19+$0x0];
	v4 =	vadd.f32 v4, v6;
	v6 =	vmul.f32 v7, v7;
	(erf) = vrcp.f32 v1  }
0x9c: {  	v1 =	vld [tilespmem:s10+$0xFFFFFFE0];
	v7 =	vmul.f32 v11, v10  }
0x9d: {  	v10 =	vld.idx.msk [tilespmem:v14+s17+$0x0], $0xffff;
	v6 =	vadd.f32 v6, v9;
	(erf) = vrcp.f32 v4  }
0x9e: {  	v4 =	vld.idx.msk [tilespmem:v14+s18+$0x0], $0xffff;
	v9 =	vmul.f32 v7, v7  }
0x9f: {  	v11 =	vld.idx.msk [tilespmem:v13+s17+$0x0], $0xffff;
	(erf) = vrcp.f32 v6  }
0xa0: {  	v6 =	vld.idx.msk [tilespmem:v13+s18+$0x0], $0xffff;
	v7 =	vsub.f32 v9, v7  }
0xa1: {  	s9 =	sadd.s32 $0x40, s9;
	v9 =	vld.idx.msk [tilespmem:v3+s17+$0x0], $0xffff  }
0xa2: {  	s15 =	sadd.s32 $0x40, s15;
	v13 =	vld [tilespmem:s9+$0x10];
	v16 =	vadd.f32 v7, v7  }
0xa3: {  	s8 =	sadd.s32 $0x40, s8;
	v14 =	vld [tilespmem:s15+$0x10]  }
0xa4: {  	v15 =	vld.idx.msk [tilespmem:v1+s17+$0x0], $0xffff;
	[tilespmem:s8+$0x10] =	vst v16;
	v7 =	vpop (erf)  }
0xa5: {  	v1 =	vld.idx.msk [tilespmem:v1+s18+$0x0], $0xffff;
	v7 =	vmul.f32 $9.999999740e-05, v7  }
0xa6: {  	v10 =	vsub.f32 v11, v10;
	v4 =	vsub.f32 v6, v4;
	v3 =	vld.idx.msk [tilespmem:v3+s18+$0x0], $0xffff;
	v6 =	vpop (erf)  }
0xa7: {  	v11 =	vld.idx.msk [tilespmem:v5+s17+$0x0], $0xffff;
	v16 =	vmul.f32 v7, v7;
	v6 =	vmul.f32 $9.999999740e-05, v6  }
0xa8: {  	v10 =	vmul.f32 v10, v10;
	v4 =	vmul.f32 v4, v4;
	v5 =	vld.idx.msk [tilespmem:v5+s18+$0x0], $0xffff;
	v13 =	vsub.f32 v14, v13;
	v14 =	vpop (erf)  }
0xa9: {  	v17 =	vld.idx.msk [tilespmem:v2+s17+$0x0], $0xffff;
	v18 =	vmul.f32 v6, v6;
	v14 =	vmul.f32 $9.999999740e-05, v14  }
0xaa: {  	v9 =	vsub.f32 v9, v15;
	v4 =	vadd.f32 v4, v10;
	v2 =	vld.idx.msk [tilespmem:v2+s18+$0x0], $0xffff;
	v10 =	vmul.f32 v13, v13  }
0xab: {  	v15 =	vmul.f32 v16, v7;
	v13 =	vld.idx.msk [tilespmem:v8+s17+$0x0], $0xffff;
	v7 =	vmul.f32 v14, v14  }
0xac: {  	v1 =	vsub.f32 v3, v1;
	v3 =	vmul.f32 v9, v9;
	v16 =	vld.idx.msk [tilespmem:v8+s18+$0x0], $0xffff;
	v4 =	vadd.f32 v10, v4  }
0xad: {  	v6 =	vmul.f32 v18, v6;
	v19 =	vld.idx.msk [tilespmem:v12+s17+$0x0], $0xffff;
	v8 =	vmul.f32 v7, v14  }
0xae: {  	v1 =	vmul.f32 v1, v1;
	v14 =	vld.idx.msk [tilespmem:v12+s18+$0x0], $0xffff;
	(erf) = vrcp.f32 v4  }
0xaf: {  	v10 =	vsub.f32 v17, v11;
	v11 =	vmul.f32 v15, v15;
	v12 =	vmul.f32 v6, v6;
	v4 =	vld [tilespmem:s9+$0xFFFFFFE0]  }
.Ltmp1:
0xb0: {  	v1 =	vadd.f32 v1, v3;
	v2 =	vsub.f32 v2, v5;
	v5 =	vmul.f32 v8, v8;
	v9 =	vld [tilespmem:s15+$0xFFFFFFE0];
	(pc) =	sbr.rel @p1 .LBB2_5-.Ltmp1, $4  }
0xb1: {  	v17 =	vmul.f32 v10, v10;
	v11 =	vsub.f32 v11, v15;
	v3 =	vsub.f32 v12, v6;
	v7 =	vld [tilespmem:s9+$0xFFFFFFF0]  }
0xb2: {  	v6 =	vmul.f32 v2, v2;
	v2 =	vsub.f32 v5, v8;
	v10 =	vld [tilespmem:s15+$0xFFFFFFF0]  }
0xb3: {  	v12 =	vsub.f32 v19, v13;
	v5 =	vadd.f32 v11, v11;
	v8 =	vld [tilespmem:s9+$0x0]  }
0xb4: {  	s10 =	sadd.s32 $0x40, s10;
	v6 =	vadd.f32 v6, v17;
	v13 =	vsub.f32 v14, v16;
	v11 =	vld [tilespmem:s15+$0x0]  }
0xb5: {  	_ =	sdelay $0x1  }
0xb6: {  	v4 =	vsub.f32 v9, v4  }
0xb7: {  	v9 =	vmul.f32 v12, v12;
	v7 =	vsub.f32 v10, v7  }
0xb8: {  	v10 =	vmul.f32 v13, v13;
	v4 =	vmul.f32 v4, v4;
	v8 =	vsub.f32 v11, v8  }
0xb9: {  	v7 =	vmul.f32 v7, v7  }
0xba: {  	v9 =	vadd.f32 v10, v9;
	v1 =	vadd.f32 v4, v1;
	v4 =	vmul.f32 v8, v8  }
0xbb: {  	v6 =	vadd.f32 v7, v6  }
0xbc: {  	(erf) = vrcp.f32 v1;
	v1 =	vadd.f32 v4, v9  }
0xbd: {  	(erf) = vrcp.f32 v6  }
0xbe: {  	(erf) = vrcp.f32 v1;
	_ =	sdelay $0x5  }
0xbf: {  	v1 =	vpop (erf)  }
0xc0: {  	v1 =	vmul.f32 $9.999999740e-05, v1;
	v4 =	vpop (erf)  }
0xc1: {  	v4 =	vmul.f32 $9.999999740e-05, v4;
	v6 =	vpop (erf)  }
0xc2: {  	v7 =	vmul.f32 v1, v1;
	v6 =	vmul.f32 $9.999999740e-05, v6;
	v8 =	vpop (erf)  }
0xc3: {  	v9 =	vmul.f32 v4, v4;
	v8 =	vmul.f32 $9.999999740e-05, v8  }
0xc4: {  	v1 =	vmul.f32 v7, v1;
	v7 =	vmul.f32 v6, v6  }
0xc5: {  	v4 =	vmul.f32 v9, v4;
	v9 =	vmul.f32 v8, v8  }
0xc6: {  	v10 =	vmul.f32 v1, v1;
	v6 =	vmul.f32 v7, v6  }
0xc7: {  	v7 =	vmul.f32 v9, v8;
	v8 =	vmul.f32 v4, v4  }
0xc8: {  	v3 =	vadd.f32 v3, v3;
	v1 =	vsub.f32 v10, v1;
	v9 =	vmul.f32 v6, v6  }
0xc9: {  	[tilespmem:s8+$0xFFFFFFE0] =	vst v5;
	v2 =	vadd.f32 v2, v2;
	v5 =	vmul.f32 v7, v7;
	v4 =	vsub.f32 v8, v4  }
0xca: {  	[tilespmem:s8+$0xFFFFFFF0] =	vst v3;
	v1 =	vadd.f32 v1, v1;
	v3 =	vsub.f32 v9, v6  }
0xcb: {  	s6 =	sadd.s32 $0x40, s8;
	[tilespmem:s8+$0x0] =	vst v2;
	v2 =	vsub.f32 v5, v7;
	v4 =	vadd.f32 v4, v4  }
0xcc: {  	[tilespmem:s6+$0x10] =	vst v1;
	v1 =	vadd.f32 v3, v3  }
0xcd: {  	[tilespmem:s6+$0xFFFFFFE0] =	vst v4;
	v2 =	vadd.f32 v2, v2  }
0xce: {  	[tilespmem:s6+$0xFFFFFFF0] =	vst v1  }
0xcf: {  	[tilespmem:s6+$0x0] =	vst v2  }
0xd0: {  	v1 =	vld [tilespmem:$0x7C0];
	_ =	sdelay $0x1  }
0xd1: {  	v2 =	vld [tilespmem:$0x1760];
	_ =	sdelay $0x5  }
0xd2: {  	v3 =	vld.idx.msk [tilespmem:v1+s17+$0x0], $0xffff  }
0xd3: {  	v1 =	vld.idx.msk [tilespmem:v1+s18+$0x0], $0xffff  }
0xd4: {  	v4 =	vld.idx.msk [tilespmem:v2+s17+$0x0], $0xffff  }
0xd5: {  	v2 =	vld.idx.msk [tilespmem:v2+s18+$0x0], $0xffff  }
0xd6: {  	v5 =	vld [tilespmem:$0x2700]  }
0xd7: {  	v6 =	vld [tilespmem:$0x36A0];
	_ =	sdelay $0x2  }
0xd8: {  	v3 =	vsub.f32 v4, v3;
	v1 =	vsub.f32 v2, v1;
	_ =	sdelay $0x1  }
0xd9: {  	v2 =	vsub.f32 v6, v5;
	v3 =	vmul.f32 v3, v3;
	v1 =	vmul.f32 v1, v1;
	_ =	sdelay $0x1  }
0xda: {  	v2 =	vmul.f32 v2, v2;
	v1 =	vadd.f32 v1, v3;
	_ =	sdelay $0x1  }
0xdb: {  	v1 =	vadd.f32 v2, v1;
	_ =	sdelay $0x1  }
0xdc: {  	(erf) = vrcp.f32 v1;
	_ =	sdelay $0x8  }
0xdd: {  	v1 =	vpop (erf)  }
0xde: {  	v1 =	vmul.f32 $9.999999740e-05, v1;
	_ =	sdelay $0x1  }
0xdf: {  	v2 =	vmul.f32 v1, v1;
	_ =	sdelay $0x1  }
0xe0: {  	v1 =	vmul.f32 v2, v1;
	_ =	sdelay $0x1  }
0xe1: {  	v2 =	vmul.f32 v1, v1;
	_ =	sdelay $0x1  }
0xe2: {  	v1 =	vsub.f32 v2, v1;
	_ =	sdelay $0x1  }
0xe3: {  	v1 =	vadd.f32 v1, v1;
	_ =	sdelay $0x1  }
0xe4: {  	[tilespmem:$0x1CCE0] =	vst v1  }
0xe5: {  	[spmem:s1] =	stream.indirect.scatter.add.f32 [tilespmem:s31], [sflag:$0x5], $0x1, s3, s22, $0xb8;
	[tilespmem:$0x1F978] =	vst v63  }
0xe6: {  	s8 =	sadd.s32 s14, s12;
	_ =	swait.ge [sflag:s0], $0x7D0  }
0xe7: {  	s6 =	sshrl.u32 s8, $0x3;
	[sflag:s0] =	ssyncset.done $0x0  }
0xe8: {  	s6 =	sadd.s32 s5, s6;
	[sflag:s0] =	ssyncadd.s32 $0xFFFFF830  }
0xe9: {  	[tilespmem:s3], [sflag:$0x1] =	stream.linear.gather [hbm4b:s6+s3], $0x7D0, $0x38;
	[tilespmem:$0x1F978] =	vst v63  }
0xea: {  	s6 =	sadd.s32 $0x30D40, s6  }
0xeb: {  	[tilespmem:s20], [sflag:$0x1] =	stream.linear.gather [hbm4b:s6+s3], $0x7D0, $0x38;
	[tilespmem:$0x1F978] =	vst v63  }
0xec: {  	_ =	swait.ge [sflag:s21], $0x7D0  }
0xed: {  	[sflag:s21] =	ssyncset.done $0x0  }
0xee: {  	[sflag:s21] =	ssyncadd.s32 $0xFFFFF830  }
0xef: {  	_ =	swait.ge [sflag:s21], $0x7D0  }
0xf0: {  	[sflag:s21] =	ssyncset.done $0x0  }
0xf1: {  	[sflag:s21] =	ssyncadd.s32 $0xFFFFF830  }
0xf2: {  	[tilespmem:s23], [sflag:$0x3] =	stream.indirect.gather [spmem:s2], $0x1, s3, s22, $0xb8;
	[tilespmem:$0x1F978] =	vst v63  }
0xf3: {  	_ = 	snop  }
0xf4: {  	[tilespmem:s24], [sflag:$0x3] =	stream.indirect.gather [spmem:s2], $0x1, s20, s22, $0xb8;
	[tilespmem:$0x1F978] =	vst v63  }
0xf5: {  	_ =	swait.ge [sflag:s4], $0x7D0  }
0xf6: {  	[sflag:s4] =	ssyncset.done $0x0  }
0xf7: {  	[sflag:s4] =	ssyncadd.s32 $0xFFFFF830  }
0xf8: {  	_ =	swait.ge [sflag:s4], $0x7D0  }
0xf9: {  	[sflag:s4] =	ssyncset.done $0x0  }
0xfa: {  	s9 =	simm.s32 $0x7F0;
	[sflag:s4] =	ssyncadd.s32 $0xFFFFF830  }
0xfb: {  	v1 =	vld [tilespmem:s9+$0x10]  }
0xfc: {  	s10 =	simm.s32 $0x1790;
	v2 =	vld [tilespmem:s9+$0xFFFFFFF0]  }
0xfd: {  	v3 =	vld [tilespmem:s10+$0x10]  }
0xfe: {  	s14 =	simm.s32 $0x2730;
	v4 =	vld [tilespmem:s10+$0xFFFFFFE0]  }
0xff: {  	s15 =	simm.s32 $0x36D0;
	v12 =	vld [tilespmem:s14+$0x10]  }
0x100: {  	v13 =	vld [tilespmem:s15+$0x10]  }
0x101: {  	v5 =	vld [tilespmem:s10+$0xFFFFFFF0]  }
0x102: {  	v6 =	vld [tilespmem:s9+$0x0]  }
0x103: {  	v8 =	vld [tilespmem:s9+$0xFFFFFFE0]  }
0x104: {  	v7 =	vld [tilespmem:s10+$0x0]  }
0x105: {  	v12 =	vsub.f32 v13, v12;
	v13 =	vld [tilespmem:s14+$0xFFFFFFF0]  }
0x106: {  	v9 =	vld.idx.msk [tilespmem:v1+s17+$0x0], $0xffff  }
0x107: {  	v1 =	vld.idx.msk [tilespmem:v1+s18+$0x0], $0xffff  }
0x108: {  	v10 =	vld.idx.msk [tilespmem:v3+s17+$0x0], $0xffff  }
0x109: {  	v3 =	vld.idx.msk [tilespmem:v3+s18+$0x0], $0xffff  }
0x10a: {  	v11 =	vld.idx.msk [tilespmem:v4+s17+$0x0], $0xffff  }
0x10b: {  	v14 =	vld.idx.msk [tilespmem:v8+s17+$0x0], $0xffff  }
0x10c: {  	v8 =	vld.idx.msk [tilespmem:v8+s18+$0x0], $0xffff  }
0x10d: {  	v4 =	vld.idx.msk [tilespmem:v4+s18+$0x0], $0xffff  }
0x10e: {  	v15 =	vld.idx.msk [tilespmem:v2+s17+$0x0], $0xffff  }
0x10f: {  	v2 =	vld.idx.msk [tilespmem:v2+s18+$0x0], $0xffff  }
0x110: {  	v16 =	vld.idx.msk [tilespmem:v5+s17+$0x0], $0xffff  }
0x111: {  	v5 =	vld.idx.msk [tilespmem:v5+s18+$0x0], $0xffff  }
0x112: {  	v17 =	vld.idx.msk [tilespmem:v6+s17+$0x0], $0xffff  }
0x113: {  	v6 =	vld.idx.msk [tilespmem:v6+s18+$0x0], $0xffff  }
0x114: {  	v18 =	vld.idx.msk [tilespmem:v7+s17+$0x0], $0xffff  }
0x115: {  	v1 =	vsub.f32 v3, v1;
	v3 =	vld [tilespmem:s14+$0xFFFFFFE0]  }
0x116: {  	v9 =	vsub.f32 v10, v9;
	v10 =	vld [tilespmem:s15+$0xFFFFFFE0]  }
0x117: {  	v7 =	vld.idx.msk [tilespmem:v7+s18+$0x0], $0xffff  }
0x118: {  	v4 =	vsub.f32 v4, v8;
	v8 =	vld [tilespmem:s15+$0xFFFFFFF0];
	v9 =	vmul.f32 v9, v9;
	v1 =	vmul.f32 v1, v1  }
0x119: {  	v11 =	vsub.f32 v11, v14;
	v14 =	vld [tilespmem:s15+$0x0]  }
0x11a: {  	s19 =	simm.s32 $0x830;
	v1 =	vadd.f32 v1, v9;
	v9 =	vmul.f32 v12, v12;
	v12 =	vld [tilespmem:s14+$0x0]  }
0x11b: {  	s14 =	simm.s32 $0x17D0;
	v3 =	vsub.f32 v10, v3;
	v10 =	vld [tilespmem:s19+$0xFFFFFFF0]  }
0x11c: {  	v6 =	vsub.f32 v7, v6;
	v7 =	vld [tilespmem:s14+$0xFFFFFFE0];
	v1 =	vadd.f32 v9, v1  }
0x11d: {  	v11 =	vmul.f32 v11, v11;
	v4 =	vmul.f32 v4, v4;
	v9 =	vsub.f32 v16, v15;
	v15 =	vld [tilespmem:s19+$0x10]  }
0x11e: {  	v6 =	vmul.f32 v6, v6;
	(erf) = vrcp.f32 v1;
	v1 =	vsub.f32 v5, v2;
	v5 =	vld [tilespmem:s14+$0x10]  }
0x11f: {  	s9 =	simm.s32 $0x2770;
	v4 =	vadd.f32 v4, v11;
	v11 =	vld [tilespmem:s14+$0xFFFFFFF0];
	v3 =	vmul.f32 v3, v3;
	v2 =	vsub.f32 v18, v17  }
0x120: {  	v8 =	vsub.f32 v8, v13;
	v13 =	vld [tilespmem:s9+$0x10];
	v9 =	vmul.f32 v9, v9;
	v1 =	vmul.f32 v1, v1  }
0x121: {  	s15 =	simm.s32 $0x3710;
	v3 =	vadd.f32 v3, v4;
	v4 =	vsub.f32 v14, v12;
	v12 =	vld [tilespmem:s19+$0x0];
	v2 =	vmul.f32 v2, v2  }
0x122: {  	v8 =	vmul.f32 v8, v8;
	v14 =	vld [tilespmem:s15+$0x10];
	v1 =	vadd.f32 v1, v9  }
0x123: {  	v4 =	vmul.f32 v4, v4;
	(erf) = vrcp.f32 v3;
	v3 =	vld [tilespmem:s19+$0xFFFFFFE0];
	v2 =	vadd.f32 v6, v2  }
0x124: {  	v9 =	vld [tilespmem:s14+$0x0];
	v1 =	vadd.f32 v8, v1  }
0x125: {  	v6 =	vld.idx.msk [tilespmem:v15+s17+$0x0], $0xffff;
	v2 =	vadd.f32 v4, v2  }
0x126: {  	(erf) = vrcp.f32 v1;
	v1 =	vld.idx.msk [tilespmem:v5+s17+$0x0], $0xffff  }
0x127: {  	(erf) = vrcp.f32 v2;
	v2 =	vld.idx.msk [tilespmem:v5+s18+$0x0], $0xffff;
	v5 =	vpop (erf)  }
0x128: {  	v4 =	vld.idx.msk [tilespmem:v15+s18+$0x0], $0xffff;
	v5 =	vmul.f32 $9.999999740e-05, v5  }
0x129: {  	v8 =	vld.idx.msk [tilespmem:v7+s17+$0x0], $0xffff  }
0x12a: {  	v7 =	vld.idx.msk [tilespmem:v7+s18+$0x0], $0xffff;
	v15 =	vmul.f32 v5, v5  }
0x12b: {  	v13 =	vsub.f32 v14, v13;
	v56 =	vld.idx.msk [tilespmem:v3+s17+$0x0], $0xffff  }
0x12c: {  	v3 =	vld.idx.msk [tilespmem:v3+s18+$0x0], $0xffff;
	v57 =	vpop (erf);
	v1 =	vsub.f32 v1, v6;
	v5 =	vmul.f32 v15, v5  }
0x12d: {  	v13 =	vmul.f32 v13, v13;
	v15 =	vmul.f32 $9.999999740e-05, v57;
	v2 =	vsub.f32 v2, v4  }
0x12e: {  	v19 =	vld.idx.msk [tilespmem:v11+s17+$0x0], $0xffff;
	v1 =	vmul.f32 v1, v1;
	v58 =	vmul.f32 v5, v5  }
0x12f: {  	v6 =	vld.idx.msk [tilespmem:v10+s17+$0x0], $0xffff;
	v59 =	vmul.f32 v15, v15;
	v2 =	vmul.f32 v2, v2;
	v4 =	vpop (erf)  }
0x130: {  	v11 =	vld.idx.msk [tilespmem:v11+s18+$0x0], $0xffff;
	v8 =	vsub.f32 v8, v56;
	v4 =	vmul.f32 $9.999999740e-05, v4;
	v5 =	vsub.f32 v58, v5  }
0x131: {  	v10 =	vld.idx.msk [tilespmem:v10+s18+$0x0], $0xffff;
	v3 =	vsub.f32 v7, v3;
	v14 =	vpop (erf);
	v1 =	vadd.f32 v2, v1;
	v2 =	vmul.f32 v59, v15  }
0x132: {  	v61 =	vld.idx.msk [tilespmem:v12+s17+$0x0], $0xffff;
	v14 =	vmul.f32 $9.999999740e-05, v14;
	v60 =	vmul.f32 v4, v4;
	v20 =	vadd.f32 v5, v5  }
0x133: {  	v62 =	vld.idx.msk [tilespmem:v12+s18+$0x0], $0xffff;
	v5 =	vmul.f32 v8, v8;
	v13 =	vadd.f32 v13, v1;
	v1 =	vmul.f32 v3, v3  }
0x134: {  	v12 =	vld.idx.msk [tilespmem:v9+s17+$0x0], $0xffff;
	v3 =	vsub.f32 v19, v6;
	v6 =	vmul.f32 v2, v2;
	v15 =	vmul.f32 v14, v14  }
0x135: {  	v8 =	vmul.f32 v60, v4;
	v4 =	vld [tilespmem:s9+$0xFFFFFFE0];
	(erf) = vrcp.f32 v13  }
0x136: {  	v11 =	vsub.f32 v11, v10;
	v14 =	vmul.f32 v15, v14;
	v15 =	vld.idx.msk [tilespmem:v9+s18+$0x0], $0xffff  }
0x137: {  	v1 =	vadd.f32 v1, v5;
	v21 =	vmul.f32 v3, v3;
	v5 =	vsub.f32 v6, v2;
	v9 =	vld [tilespmem:s15+$0xFFFFFFE0]  }
0x138: {  	v7 =	vld [tilespmem:s9+$0xFFFFFFF0];
	v6 =	vmul.f32 v11, v11;
	v17 =	vmul.f32 v8, v8  }
0x139: {  	v12 =	vsub.f32 v12, v61;
	v10 =	vld [tilespmem:s15+$0xFFFFFFF0];
	v5 =	vadd.f32 v5, v5;
	v63 =	vmul.f32 v14, v14  }
0x13a: {  	s8 =	simm.s32 $0x1CD10;
	v11 =	vld [tilespmem:s15+$0x0];
	v6 =	vadd.f32 v6, v21;
	v3 =	vsub.f32 v17, v8  }
0x13b: {  	s6 =	simm.s32 $0x4;
	s10 =	simm.s32 $0x870;
	[tilespmem:s8+$0x10] =	vst v20;
	v8 =	vld [tilespmem:s9+$0x0];
	v2 =	vsub.f32 v63, v14;
	v13 =	vsub.f32 v15, v62  }
.LBB2_7:
0x13c: {  	v14 =	vld [tilespmem:s10+$0x10];
	v4 =	vsub.f32 v9, v4;
	v9 =	vmul.f32 v12, v12;
	[tilespmem:s8+$0xFFFFFFE0] =	vst v5;
	v3 =	vadd.f32 v3, v3  }
0x13d: {  	s14 =	sadd.s32 $0x40, s14;
	v2 =	vadd.f32 v2, v2;
	v5 =	vld [tilespmem:s10+$0xFFFFFFF0];
	v12 =	vmul.f32 v13, v13  }
0x13e: {  	v13 =	vld [tilespmem:s14+$0x10];
	v4 =	vmul.f32 v4, v4;
	v7 =	vsub.f32 v10, v7;
	v10 =	vpop (erf);
	[tilespmem:s8+$0xFFFFFFF0] =	vst v3  }
0x13f: {  	s6 =	sadd.s32 $0x4, s6;
	v3 =	vld [tilespmem:s14+$0xFFFFFFE0];
	v9 =	vadd.f32 v12, v9;
	v10 =	vmul.f32 $9.999999740e-05, v10;
	[tilespmem:s8+$0x0] =	vst v2  }
0x140: {  	p1 =	slt.u32 s6, $0x78;
	v2 =	vld [tilespmem:s14+$0xFFFFFFF0];
	v1 =	vadd.f32 v4, v1;
	v4 =	vmul.f32 v7, v7;
	v7 =	vsub.f32 v11, v8  }
0x141: {  	v8 =	vld [tilespmem:s10+$0x0];
	v11 =	vmul.f32 v10, v10  }
0x142: {  	v12 =	vld [tilespmem:s14+$0x0];
	v4 =	vadd.f32 v4, v6;
	v6 =	vmul.f32 v7, v7;
	(erf) = vrcp.f32 v1  }
0x143: {  	v1 =	vld [tilespmem:s10+$0xFFFFFFE0];
	v7 =	vmul.f32 v11, v10  }
0x144: {  	v10 =	vld.idx.msk [tilespmem:v14+s17+$0x0], $0xffff;
	v6 =	vadd.f32 v6, v9;
	(erf) = vrcp.f32 v4  }
0x145: {  	v4 =	vld.idx.msk [tilespmem:v14+s18+$0x0], $0xffff;
	v9 =	vmul.f32 v7, v7  }
0x146: {  	v11 =	vld.idx.msk [tilespmem:v13+s17+$0x0], $0xffff;
	(erf) = vrcp.f32 v6  }
0x147: {  	v6 =	vld.idx.msk [tilespmem:v13+s18+$0x0], $0xffff;
	v7 =	vsub.f32 v9, v7  }
0x148: {  	s9 =	sadd.s32 $0x40, s9;
	v9 =	vld.idx.msk [tilespmem:v3+s17+$0x0], $0xffff  }
0x149: {  	s15 =	sadd.s32 $0x40, s15;
	v13 =	vld [tilespmem:s9+$0x10];
	v16 =	vadd.f32 v7, v7  }
0x14a: {  	s8 =	sadd.s32 $0x40, s8;
	v14 =	vld [tilespmem:s15+$0x10]  }
0x14b: {  	v15 =	vld.idx.msk [tilespmem:v1+s17+$0x0], $0xffff;
	[tilespmem:s8+$0x10] =	vst v16;
	v7 =	vpop (erf)  }
0x14c: {  	v1 =	vld.idx.msk [tilespmem:v1+s18+$0x0], $0xffff;
	v7 =	vmul.f32 $9.999999740e-05, v7  }
0x14d: {  	v10 =	vsub.f32 v11, v10;
	v4 =	vsub.f32 v6, v4;
	v3 =	vld.idx.msk [tilespmem:v3+s18+$0x0], $0xffff;
	v6 =	vpop (erf)  }
0x14e: {  	v11 =	vld.idx.msk [tilespmem:v5+s17+$0x0], $0xffff;
	v16 =	vmul.f32 v7, v7;
	v6 =	vmul.f32 $9.999999740e-05, v6  }
0x14f: {  	v10 =	vmul.f32 v10, v10;
	v4 =	vmul.f32 v4, v4;
	v5 =	vld.idx.msk [tilespmem:v5+s18+$0x0], $0xffff;
	v13 =	vsub.f32 v14, v13;
	v14 =	vpop (erf)  }
0x150: {  	v17 =	vld.idx.msk [tilespmem:v2+s17+$0x0], $0xffff;
	v18 =	vmul.f32 v6, v6;
	v14 =	vmul.f32 $9.999999740e-05, v14  }
0x151: {  	v9 =	vsub.f32 v9, v15;
	v4 =	vadd.f32 v4, v10;
	v2 =	vld.idx.msk [tilespmem:v2+s18+$0x0], $0xffff;
	v10 =	vmul.f32 v13, v13  }
0x152: {  	v15 =	vmul.f32 v16, v7;
	v13 =	vld.idx.msk [tilespmem:v8+s17+$0x0], $0xffff;
	v7 =	vmul.f32 v14, v14  }
0x153: {  	v1 =	vsub.f32 v3, v1;
	v3 =	vmul.f32 v9, v9;
	v16 =	vld.idx.msk [tilespmem:v8+s18+$0x0], $0xffff;
	v4 =	vadd.f32 v10, v4  }
0x154: {  	v6 =	vmul.f32 v18, v6;
	v19 =	vld.idx.msk [tilespmem:v12+s17+$0x0], $0xffff;
	v8 =	vmul.f32 v7, v14  }
0x155: {  	v1 =	vmul.f32 v1, v1;
	v14 =	vld.idx.msk [tilespmem:v12+s18+$0x0], $0xffff;
	(erf) = vrcp.f32 v4  }
0x156: {  	v10 =	vsub.f32 v17, v11;
	v11 =	vmul.f32 v15, v15;
	v12 =	vmul.f32 v6, v6;
	v4 =	vld [tilespmem:s9+$0xFFFFFFE0]  }
.Ltmp2:
0x157: {  	v1 =	vadd.f32 v1, v3;
	v2 =	vsub.f32 v2, v5;
	v5 =	vmul.f32 v8, v8;
	v9 =	vld [tilespmem:s15+$0xFFFFFFE0];
	(pc) =	sbr.rel @p1 .LBB2_7-.Ltmp2, $4  }
0x158: {  	v17 =	vmul.f32 v10, v10;
	v11 =	vsub.f32 v11, v15;
	v3 =	vsub.f32 v12, v6;
	v7 =	vld [tilespmem:s9+$0xFFFFFFF0]  }
0x159: {  	v6 =	vmul.f32 v2, v2;
	v2 =	vsub.f32 v5, v8;
	v10 =	vld [tilespmem:s15+$0xFFFFFFF0]  }
0x15a: {  	v12 =	vsub.f32 v19, v13;
	v5 =	vadd.f32 v11, v11;
	v8 =	vld [tilespmem:s9+$0x0]  }
0x15b: {  	s10 =	sadd.s32 $0x40, s10;
	v6 =	vadd.f32 v6, v17;
	v13 =	vsub.f32 v14, v16;
	v11 =	vld [tilespmem:s15+$0x0]  }
0x15c: {  	_ =	sdelay $0x1  }
0x15d: {  	v4 =	vsub.f32 v9, v4  }
0x15e: {  	v48 =	vmul.f32 v12, v12;
	v7 =	vsub.f32 v10, v7  }
0x15f: {  	v49 =	vmul.f32 v13, v13;
	v4 =	vmul.f32 v4, v4;
	v8 =	vsub.f32 v11, v8  }
0x160: {  	v7 =	vmul.f32 v7, v7  }
0x161: {  	v9 =	vadd.f32 v49, v48;
	v1 =	vadd.f32 v4, v1;
	v50 =	vmul.f32 v8, v8  }
0x162: {  	v6 =	vadd.f32 v7, v6  }
0x163: {  	(erf) = vrcp.f32 v1;
	v1 =	vadd.f32 v50, v9  }
0x164: {  	(erf) = vrcp.f32 v6  }
0x165: {  	(erf) = vrcp.f32 v1;
	_ =	sdelay $0x5  }
0x166: {  	v1 =	vpop (erf)  }
0x167: {  	v1 =	vmul.f32 $9.999999740e-05, v1;
	v51 =	vpop (erf)  }
0x168: {  	v4 =	vmul.f32 $9.999999740e-05, v51;
	v6 =	vpop (erf)  }
0x169: {  	v52 =	vmul.f32 v1, v1;
	v6 =	vmul.f32 $9.999999740e-05, v6;
	v53 =	vpop (erf)  }
0x16a: {  	v54 =	vmul.f32 v4, v4;
	v8 =	vmul.f32 $9.999999740e-05, v53  }
0x16b: {  	v1 =	vmul.f32 v52, v1;
	v55 =	vmul.f32 v6, v6  }
0x16c: {  	v4 =	vmul.f32 v54, v4;
	v56 =	vmul.f32 v8, v8  }
0x16d: {  	v57 =	vmul.f32 v1, v1;
	v6 =	vmul.f32 v55, v6  }
0x16e: {  	v59 =	vmul.f32 v4, v4;
	v58 =	vmul.f32 v56, v8  }
0x16f: {  	v3 =	vadd.f32 v3, v3;
	v1 =	vsub.f32 v57, v1;
	v60 =	vmul.f32 v6, v6  }
0x170: {  	[tilespmem:s8+$0xFFFFFFE0] =	vst v5;
	v2 =	vadd.f32 v2, v2;
	v4 =	vsub.f32 v59, v4;
	v61 =	vmul.f32 v58, v58  }
0x171: {  	[tilespmem:s8+$0xFFFFFFF0] =	vst v3;
	v1 =	vadd.f32 v1, v1;
	v3 =	vsub.f32 v60, v6  }
0x172: {  	s6 =	sadd.s32 $0x40, s8;
	[tilespmem:s8+$0x0] =	vst v2;
	v4 =	vadd.f32 v4, v4;
	v2 =	vsub.f32 v61, v58  }
0x173: {  	[tilespmem:s6+$0x10] =	vst v1;
	v1 =	vadd.f32 v3, v3  }
0x174: {  	[tilespmem:s6+$0xFFFFFFE0] =	vst v4;
	v2 =	vadd.f32 v2, v2  }
0x175: {  	[tilespmem:s6+$0xFFFFFFF0] =	vst v1  }
0x176: {  	[tilespmem:s6+$0x0] =	vst v2  }
0x177: {  	v1 =	vld [tilespmem:$0xF90];
	_ =	sdelay $0x1  }
0x178: {  	v2 =	vld [tilespmem:$0x1F30];
	_ =	sdelay $0x5  }
0x179: {  	v3 =	vld.idx.msk [tilespmem:v1+s17+$0x0], $0xffff  }
0x17a: {  	v1 =	vld.idx.msk [tilespmem:v1+s18+$0x0], $0xffff  }
0x17b: {  	v4 =	vld.idx.msk [tilespmem:v2+s17+$0x0], $0xffff  }
0x17c: {  	v2 =	vld.idx.msk [tilespmem:v2+s18+$0x0], $0xffff  }
0x17d: {  	v62 =	vld [tilespmem:$0x2ED0]  }
0x17e: {  	v63 =	vld [tilespmem:$0x3E70];
	_ =	sdelay $0x2  }
0x17f: {  	v3 =	vsub.f32 v4, v3;
	v1 =	vsub.f32 v2, v1;
	_ =	sdelay $0x1  }
0x180: {  	v2 =	vsub.f32 v63, v62;
	v3 =	vmul.f32 v3, v3;
	v1 =	vmul.f32 v1, v1;
	_ =	sdelay $0x1  }
0x181: {  	v2 =	vmul.f32 v2, v2;
	v1 =	vadd.f32 v1, v3;
	_ =	sdelay $0x1  }
0x182: {  	v1 =	vadd.f32 v2, v1;
	_ =	sdelay $0x1  }
0x183: {  	(erf) = vrcp.f32 v1;
	_ =	sdelay $0x8  }
0x184: {  	v1 =	vpop (erf)  }
0x185: {  	v1 =	vmul.f32 $9.999999740e-05, v1;
	_ =	sdelay $0x1  }
0x186: {  	v2 =	vmul.f32 v1, v1;
	_ =	sdelay $0x1  }
0x187: {  	v1 =	vmul.f32 v2, v1;
	_ =	sdelay $0x1  }
0x188: {  	v2 =	vmul.f32 v1, v1  }
0x189: {  	s13 =	sadd.s32 $0x1, s13  }
0x18a: {  	p1 =	sne.s32 s13, $0xC;
	v1 =	vsub.f32 v2, v1  }
.Ltmp3:
0x18b: {  	_ = 	snop;
	(pc) =	sbr.rel @p1 .LBB2_4-.Ltmp3, $3  }
0x18c: {  	v1 =	vadd.f32 v1, v1;
	_ =	sdelay $0x1  }
0x18d: {  	[tilespmem:$0x1D4B0] =	vst v1  }
0x18e: {  	[spmem:s1] =	stream.indirect.scatter.add.f32 [tilespmem:s7], [sflag:$0x6], $0x1, s22, s22, $0xb8;
	[tilespmem:$0x1F978] =	vst v63  }
0x18f: {  	s6 =	simm.s32 $0x6  }
0x190: {  	_ =	swait.ge [sflag:s6], $0x7D0  }
0x191: {  	[sflag:s6] =	ssyncset.done $0x0  }
0x192: {  	[sflag:s6] =	ssyncadd.s32 $0xFFFFF830  }
0x193: {  	_ =	swait.ge [sflag:s30], $0x7D0  }
0x194: {  	[sflag:s30] =	ssyncset.done $0x0  }
0x195: {  	[sflag:s30] =	ssyncadd.s32 $0xFFFFF830  }
0x196: {  	_ =	swait.ge [sflag:s30], $0x7D0  }
0x197: {  	[sflag:s30] =	ssyncset.done $0x0  }
0x198: {  	s13 =	simm.s32 $0x20;
	[sflag:s30] =	ssyncadd.s32 $0xFFFFF830  }
0x199: {  	v1 =	vld [tilespmem:s13+$0x10]  }
0x19a: {  	s8 =	simm.s32 $0xFC0;
	v2 =	vld [tilespmem:s13+$0xFFFFFFF0]  }
0x19b: {  	v3 =	vld [tilespmem:s8+$0x10]  }
0x19c: {  	s14 =	simm.s32 $0x1F60;
	v4 =	vld [tilespmem:s8+$0xFFFFFFE0]  }
0x19d: {  	s15 =	simm.s32 $0x2F00;
	v12 =	vld [tilespmem:s14+$0x10]  }
0x19e: {  	v13 =	vld [tilespmem:s15+$0x10]  }
0x19f: {  	v5 =	vld [tilespmem:s8+$0xFFFFFFF0]  }
0x1a0: {  	v6 =	vld [tilespmem:s13+$0x0]  }
0x1a1: {  	v8 =	vld [tilespmem:s13+$0xFFFFFFE0]  }
0x1a2: {  	v7 =	vld [tilespmem:s8+$0x0]  }
0x1a3: {  	v12 =	vsub.f32 v13, v12;
	v13 =	vld [tilespmem:s14+$0xFFFFFFF0]  }
0x1a4: {  	v9 =	vld.idx.msk [tilespmem:v1+s17+$0x0], $0xffff  }
0x1a5: {  	v1 =	vld.idx.msk [tilespmem:v1+s18+$0x0], $0xffff  }
0x1a6: {  	v10 =	vld.idx.msk [tilespmem:v3+s17+$0x0], $0xffff  }
0x1a7: {  	v3 =	vld.idx.msk [tilespmem:v3+s18+$0x0], $0xffff  }
0x1a8: {  	v11 =	vld.idx.msk [tilespmem:v4+s17+$0x0], $0xffff  }
0x1a9: {  	v14 =	vld.idx.msk [tilespmem:v8+s17+$0x0], $0xffff  }
0x1aa: {  	v8 =	vld.idx.msk [tilespmem:v8+s18+$0x0], $0xffff  }
0x1ab: {  	v4 =	vld.idx.msk [tilespmem:v4+s18+$0x0], $0xffff  }
0x1ac: {  	v15 =	vld.idx.msk [tilespmem:v2+s17+$0x0], $0xffff  }
0x1ad: {  	v2 =	vld.idx.msk [tilespmem:v2+s18+$0x0], $0xffff  }
0x1ae: {  	v16 =	vld.idx.msk [tilespmem:v5+s17+$0x0], $0xffff  }
0x1af: {  	v17 =	vld.idx.msk [tilespmem:v6+s17+$0x0], $0xffff  }
0x1b0: {  	v6 =	vld.idx.msk [tilespmem:v6+s18+$0x0], $0xffff  }
0x1b1: {  	v18 =	vld.idx.msk [tilespmem:v7+s17+$0x0], $0xffff  }
0x1b2: {  	v7 =	vld.idx.msk [tilespmem:v7+s18+$0x0], $0xffff  }
0x1b3: {  	v5 =	vld.idx.msk [tilespmem:v5+s18+$0x0], $0xffff  }
0x1b4: {  	v9 =	vsub.f32 v10, v9;
	v1 =	vsub.f32 v3, v1;
	v3 =	vld [tilespmem:s14+$0xFFFFFFE0]  }
0x1b5: {  	v10 =	vld [tilespmem:s15+$0xFFFFFFE0];
	v11 =	vsub.f32 v11, v14  }
0x1b6: {  	v4 =	vsub.f32 v4, v8;
	v8 =	vld [tilespmem:s15+$0xFFFFFFF0];
	v9 =	vmul.f32 v9, v9;
	v1 =	vmul.f32 v1, v1  }
0x1b7: {  	s13 =	simm.s32 $0x1000;
	v14 =	vld [tilespmem:s15+$0x0];
	v6 =	vsub.f32 v7, v6;
	v11 =	vmul.f32 v11, v11  }
0x1b8: {  	v7 =	vld [tilespmem:s13+$0xFFFFFFE0];
	v4 =	vmul.f32 v4, v4;
	v1 =	vadd.f32 v1, v9;
	v9 =	vmul.f32 v12, v12  }
0x1b9: {  	v12 =	vld [tilespmem:s14+$0x0]  }
0x1ba: {  	s19 =	simm.s32 $0x60;
	v4 =	vadd.f32 v4, v11;
	v11 =	vld [tilespmem:s13+$0xFFFFFFF0];
	v1 =	vadd.f32 v9, v1  }
0x1bb: {  	v3 =	vsub.f32 v10, v3;
	v9 =	vsub.f32 v16, v15;
	v15 =	vld [tilespmem:s19+$0x10]  }
0x1bc: {  	(erf) = vrcp.f32 v1;
	v1 =	vsub.f32 v5, v2;
	v5 =	vld [tilespmem:s13+$0x10]  }
0x1bd: {  	s9 =	simm.s32 $0x1FA0;
	v6 =	vmul.f32 v6, v6;
	v10 =	vld [tilespmem:s19+$0xFFFFFFF0];
	v3 =	vmul.f32 v3, v3;
	v2 =	vsub.f32 v18, v17  }
0x1be: {  	v8 =	vsub.f32 v8, v13;
	v13 =	vld [tilespmem:s9+$0x10];
	v9 =	vmul.f32 v9, v9;
	v1 =	vmul.f32 v1, v1  }
0x1bf: {  	s14 =	simm.s32 $0x2F40;
	v3 =	vadd.f32 v3, v4;
	v4 =	vsub.f32 v14, v12;
	v12 =	vld [tilespmem:s19+$0x0];
	v2 =	vmul.f32 v2, v2  }
0x1c0: {  	v8 =	vmul.f32 v8, v8;
	v14 =	vld [tilespmem:s14+$0x10];
	v1 =	vadd.f32 v1, v9  }
0x1c1: {  	v4 =	vmul.f32 v4, v4;
	(erf) = vrcp.f32 v3;
	v3 =	vld [tilespmem:s19+$0xFFFFFFE0];
	v2 =	vadd.f32 v6, v2  }
0x1c2: {  	v9 =	vld [tilespmem:s13+$0x0];
	v1 =	vadd.f32 v8, v1  }
0x1c3: {  	v6 =	vld.idx.msk [tilespmem:v15+s17+$0x0], $0xffff;
	v2 =	vadd.f32 v4, v2  }
0x1c4: {  	(erf) = vrcp.f32 v1;
	v1 =	vld.idx.msk [tilespmem:v5+s17+$0x0], $0xffff  }
0x1c5: {  	(erf) = vrcp.f32 v2;
	v2 =	vld.idx.msk [tilespmem:v5+s18+$0x0], $0xffff;
	v5 =	vpop (erf)  }
0x1c6: {  	v4 =	vld.idx.msk [tilespmem:v15+s18+$0x0], $0xffff;
	v5 =	vmul.f32 $9.999999740e-05, v5  }
0x1c7: {  	v8 =	vld.idx.msk [tilespmem:v7+s17+$0x0], $0xffff  }
0x1c8: {  	v7 =	vld.idx.msk [tilespmem:v7+s18+$0x0], $0xffff;
	v15 =	vmul.f32 v5, v5  }
0x1c9: {  	v13 =	vsub.f32 v14, v13;
	v56 =	vld.idx.msk [tilespmem:v3+s17+$0x0], $0xffff  }
0x1ca: {  	v3 =	vld.idx.msk [tilespmem:v3+s18+$0x0], $0xffff;
	v57 =	vpop (erf);
	v1 =	vsub.f32 v1, v6;
	v5 =	vmul.f32 v15, v5  }
0x1cb: {  	v13 =	vmul.f32 v13, v13;
	v15 =	vmul.f32 $9.999999740e-05, v57;
	v2 =	vsub.f32 v2, v4  }
0x1cc: {  	v19 =	vld.idx.msk [tilespmem:v11+s17+$0x0], $0xffff;
	v1 =	vmul.f32 v1, v1;
	v58 =	vmul.f32 v5, v5  }
0x1cd: {  	v6 =	vld.idx.msk [tilespmem:v10+s17+$0x0], $0xffff;
	v59 =	vmul.f32 v15, v15;
	v2 =	vmul.f32 v2, v2;
	v4 =	vpop (erf)  }
0x1ce: {  	v11 =	vld.idx.msk [tilespmem:v11+s18+$0x0], $0xffff;
	v8 =	vsub.f32 v8, v56;
	v4 =	vmul.f32 $9.999999740e-05, v4;
	v5 =	vsub.f32 v58, v5  }
0x1cf: {  	v10 =	vld.idx.msk [tilespmem:v10+s18+$0x0], $0xffff;
	v3 =	vsub.f32 v7, v3;
	v14 =	vpop (erf);
	v1 =	vadd.f32 v2, v1;
	v2 =	vmul.f32 v59, v15  }
0x1d0: {  	v61 =	vld.idx.msk [tilespmem:v12+s17+$0x0], $0xffff;
	v14 =	vmul.f32 $9.999999740e-05, v14;
	v60 =	vmul.f32 v4, v4;
	v20 =	vadd.f32 v5, v5  }
0x1d1: {  	v62 =	vld.idx.msk [tilespmem:v12+s18+$0x0], $0xffff;
	v5 =	vmul.f32 v8, v8;
	v13 =	vadd.f32 v13, v1;
	v1 =	vmul.f32 v3, v3  }
0x1d2: {  	v12 =	vld.idx.msk [tilespmem:v9+s17+$0x0], $0xffff;
	v3 =	vsub.f32 v19, v6;
	v6 =	vmul.f32 v2, v2;
	v15 =	vmul.f32 v14, v14  }
0x1d3: {  	v8 =	vmul.f32 v60, v4;
	v4 =	vld [tilespmem:s9+$0xFFFFFFE0];
	(erf) = vrcp.f32 v13  }
0x1d4: {  	v11 =	vsub.f32 v11, v10;
	v14 =	vmul.f32 v15, v14;
	v15 =	vld.idx.msk [tilespmem:v9+s18+$0x0], $0xffff  }
0x1d5: {  	v1 =	vadd.f32 v1, v5;
	v21 =	vmul.f32 v3, v3;
	v5 =	vsub.f32 v6, v2;
	v9 =	vld [tilespmem:s14+$0xFFFFFFE0]  }
0x1d6: {  	v7 =	vld [tilespmem:s9+$0xFFFFFFF0];
	v6 =	vmul.f32 v11, v11;
	v17 =	vmul.f32 v8, v8  }
0x1d7: {  	v12 =	vsub.f32 v12, v61;
	v10 =	vld [tilespmem:s14+$0xFFFFFFF0];
	v5 =	vadd.f32 v5, v5;
	v63 =	vmul.f32 v14, v14  }
0x1d8: {  	s8 =	simm.s32 $0x1C540;
	v11 =	vld [tilespmem:s14+$0x0];
	v6 =	vadd.f32 v6, v21;
	v3 =	vsub.f32 v17, v8  }
0x1d9: {  	s10 =	simm.s32 $0xA0;
	s6 =	simm.s32 $0x4;
	[tilespmem:s8+$0x10] =	vst v20;
	v8 =	vld [tilespmem:s9+$0x0];
	v2 =	vsub.f32 v63, v14;
	v13 =	vsub.f32 v15, v62  }
.LBB2_10:
0x1da: {  	v14 =	vld [tilespmem:s10+$0x10];
	v4 =	vsub.f32 v9, v4;
	v9 =	vmul.f32 v12, v12;
	[tilespmem:s8+$0xFFFFFFE0] =	vst v5;
	v3 =	vadd.f32 v3, v3  }
0x1db: {  	s13 =	sadd.s32 $0x40, s13;
	v2 =	vadd.f32 v2, v2;
	v5 =	vld [tilespmem:s10+$0xFFFFFFF0];
	v12 =	vmul.f32 v13, v13  }
0x1dc: {  	v13 =	vld [tilespmem:s13+$0x10];
	v4 =	vmul.f32 v4, v4;
	v7 =	vsub.f32 v10, v7;
	v10 =	vpop (erf);
	[tilespmem:s8+$0xFFFFFFF0] =	vst v3  }
0x1dd: {  	s6 =	sadd.s32 $0x4, s6;
	v3 =	vld [tilespmem:s13+$0xFFFFFFE0];
	v9 =	vadd.f32 v12, v9;
	v10 =	vmul.f32 $9.999999740e-05, v10;
	[tilespmem:s8+$0x0] =	vst v2  }
0x1de: {  	p1 =	slt.u32 s6, $0x78;
	v2 =	vld [tilespmem:s13+$0xFFFFFFF0];
	v1 =	vadd.f32 v4, v1;
	v4 =	vmul.f32 v7, v7;
	v7 =	vsub.f32 v11, v8  }
0x1df: {  	v8 =	vld [tilespmem:s10+$0x0];
	v11 =	vmul.f32 v10, v10  }
0x1e0: {  	v12 =	vld [tilespmem:s13+$0x0];
	v4 =	vadd.f32 v4, v6;
	v6 =	vmul.f32 v7, v7;
	(erf) = vrcp.f32 v1  }
0x1e1: {  	v1 =	vld [tilespmem:s10+$0xFFFFFFE0];
	v7 =	vmul.f32 v11, v10  }
0x1e2: {  	v10 =	vld.idx.msk [tilespmem:v14+s17+$0x0], $0xffff;
	v6 =	vadd.f32 v6, v9;
	(erf) = vrcp.f32 v4  }
0x1e3: {  	v4 =	vld.idx.msk [tilespmem:v14+s18+$0x0], $0xffff;
	v9 =	vmul.f32 v7, v7  }
0x1e4: {  	v11 =	vld.idx.msk [tilespmem:v13+s17+$0x0], $0xffff;
	(erf) = vrcp.f32 v6  }
0x1e5: {  	v6 =	vld.idx.msk [tilespmem:v13+s18+$0x0], $0xffff;
	v7 =	vsub.f32 v9, v7  }
0x1e6: {  	s9 =	sadd.s32 $0x40, s9;
	v9 =	vld.idx.msk [tilespmem:v3+s17+$0x0], $0xffff  }
0x1e7: {  	s14 =	sadd.s32 $0x40, s14;
	v13 =	vld [tilespmem:s9+$0x10];
	v16 =	vadd.f32 v7, v7  }
0x1e8: {  	s8 =	sadd.s32 $0x40, s8;
	v14 =	vld [tilespmem:s14+$0x10]  }
0x1e9: {  	v15 =	vld.idx.msk [tilespmem:v1+s17+$0x0], $0xffff;
	[tilespmem:s8+$0x10] =	vst v16;
	v7 =	vpop (erf)  }
0x1ea: {  	v1 =	vld.idx.msk [tilespmem:v1+s18+$0x0], $0xffff;
	v7 =	vmul.f32 $9.999999740e-05, v7  }
0x1eb: {  	v10 =	vsub.f32 v11, v10;
	v4 =	vsub.f32 v6, v4;
	v3 =	vld.idx.msk [tilespmem:v3+s18+$0x0], $0xffff;
	v6 =	vpop (erf)  }
0x1ec: {  	v11 =	vld.idx.msk [tilespmem:v5+s17+$0x0], $0xffff;
	v16 =	vmul.f32 v7, v7;
	v6 =	vmul.f32 $9.999999740e-05, v6  }
0x1ed: {  	v10 =	vmul.f32 v10, v10;
	v4 =	vmul.f32 v4, v4;
	v5 =	vld.idx.msk [tilespmem:v5+s18+$0x0], $0xffff;
	v13 =	vsub.f32 v14, v13;
	v14 =	vpop (erf)  }
0x1ee: {  	v17 =	vld.idx.msk [tilespmem:v2+s17+$0x0], $0xffff;
	v18 =	vmul.f32 v6, v6;
	v14 =	vmul.f32 $9.999999740e-05, v14  }
0x1ef: {  	v9 =	vsub.f32 v9, v15;
	v4 =	vadd.f32 v4, v10;
	v2 =	vld.idx.msk [tilespmem:v2+s18+$0x0], $0xffff;
	v10 =	vmul.f32 v13, v13  }
0x1f0: {  	v15 =	vmul.f32 v16, v7;
	v13 =	vld.idx.msk [tilespmem:v8+s17+$0x0], $0xffff;
	v7 =	vmul.f32 v14, v14  }
0x1f1: {  	v1 =	vsub.f32 v3, v1;
	v3 =	vmul.f32 v9, v9;
	v16 =	vld.idx.msk [tilespmem:v8+s18+$0x0], $0xffff;
	v4 =	vadd.f32 v10, v4  }
0x1f2: {  	v6 =	vmul.f32 v18, v6;
	v19 =	vld.idx.msk [tilespmem:v12+s17+$0x0], $0xffff;
	v8 =	vmul.f32 v7, v14  }
0x1f3: {  	v1 =	vmul.f32 v1, v1;
	v14 =	vld.idx.msk [tilespmem:v12+s18+$0x0], $0xffff;
	(erf) = vrcp.f32 v4  }
0x1f4: {  	v10 =	vsub.f32 v17, v11;
	v11 =	vmul.f32 v15, v15;
	v12 =	vmul.f32 v6, v6;
	v4 =	vld [tilespmem:s9+$0xFFFFFFE0]  }
.Ltmp4:
0x1f5: {  	v1 =	vadd.f32 v1, v3;
	v2 =	vsub.f32 v2, v5;
	v5 =	vmul.f32 v8, v8;
	v9 =	vld [tilespmem:s14+$0xFFFFFFE0];
	(pc) =	sbr.rel @p1 .LBB2_10-.Ltmp4, $4  }
0x1f6: {  	v17 =	vmul.f32 v10, v10;
	v11 =	vsub.f32 v11, v15;
	v3 =	vsub.f32 v12, v6;
	v7 =	vld [tilespmem:s9+$0xFFFFFFF0]  }
0x1f7: {  	v6 =	vmul.f32 v2, v2;
	v2 =	vsub.f32 v5, v8;
	v10 =	vld [tilespmem:s14+$0xFFFFFFF0]  }
0x1f8: {  	v12 =	vsub.f32 v19, v13;
	v5 =	vadd.f32 v11, v11;
	v8 =	vld [tilespmem:s9+$0x0]  }
0x1f9: {  	s10 =	sadd.s32 $0x40, s10;
	v6 =	vadd.f32 v6, v17;
	v13 =	vsub.f32 v14, v16;
	v11 =	vld [tilespmem:s14+$0x0]  }
0x1fa: {  	_ =	sdelay $0x1  }
0x1fb: {  	v4 =	vsub.f32 v9, v4  }
0x1fc: {  	v48 =	vmul.f32 v12, v12;
	v7 =	vsub.f32 v10, v7  }
0x1fd: {  	v49 =	vmul.f32 v13, v13;
	v4 =	vmul.f32 v4, v4;
	v8 =	vsub.f32 v11, v8  }
0x1fe: {  	v7 =	vmul.f32 v7, v7  }
0x1ff: {  	v9 =	vadd.f32 v49, v48;
	v1 =	vadd.f32 v4, v1;
	v50 =	vmul.f32 v8, v8  }
0x200: {  	v6 =	vadd.f32 v7, v6  }
0x201: {  	(erf) = vrcp.f32 v1;
	v1 =	vadd.f32 v50, v9  }
0x202: {  	(erf) = vrcp.f32 v6  }
0x203: {  	(erf) = vrcp.f32 v1;
	_ =	sdelay $0x5  }
0x204: {  	v1 =	vpop (erf)  }
0x205: {  	v1 =	vmul.f32 $9.999999740e-05, v1;
	v51 =	vpop (erf)  }
0x206: {  	v4 =	vmul.f32 $9.999999740e-05, v51;
	v6 =	vpop (erf)  }
0x207: {  	v52 =	vmul.f32 v1, v1;
	v6 =	vmul.f32 $9.999999740e-05, v6;
	v53 =	vpop (erf)  }
0x208: {  	v54 =	vmul.f32 v4, v4;
	v8 =	vmul.f32 $9.999999740e-05, v53  }
0x209: {  	v1 =	vmul.f32 v52, v1;
	v55 =	vmul.f32 v6, v6  }
0x20a: {  	v4 =	vmul.f32 v54, v4;
	v56 =	vmul.f32 v8, v8  }
0x20b: {  	v57 =	vmul.f32 v1, v1;
	v6 =	vmul.f32 v55, v6  }
0x20c: {  	v59 =	vmul.f32 v4, v4;
	v58 =	vmul.f32 v56, v8  }
0x20d: {  	v3 =	vadd.f32 v3, v3;
	v1 =	vsub.f32 v57, v1;
	v60 =	vmul.f32 v6, v6  }
0x20e: {  	[tilespmem:s8+$0xFFFFFFE0] =	vst v5;
	v2 =	vadd.f32 v2, v2;
	v4 =	vsub.f32 v59, v4;
	v61 =	vmul.f32 v58, v58  }
0x20f: {  	[tilespmem:s8+$0xFFFFFFF0] =	vst v3;
	v1 =	vadd.f32 v1, v1;
	v3 =	vsub.f32 v60, v6  }
0x210: {  	s6 =	sadd.s32 $0x40, s8;
	[tilespmem:s8+$0x0] =	vst v2;
	v4 =	vadd.f32 v4, v4;
	v2 =	vsub.f32 v61, v58  }
0x211: {  	[tilespmem:s6+$0x10] =	vst v1;
	v1 =	vadd.f32 v3, v3  }
0x212: {  	[tilespmem:s6+$0xFFFFFFE0] =	vst v4;
	v2 =	vadd.f32 v2, v2  }
0x213: {  	[tilespmem:s6+$0xFFFFFFF0] =	vst v1  }
0x214: {  	[tilespmem:s6+$0x0] =	vst v2  }
0x215: {  	v1 =	vld [tilespmem:$0x7C0];
	_ =	sdelay $0x1  }
0x216: {  	v2 =	vld [tilespmem:$0x1760];
	_ =	sdelay $0x5  }
0x217: {  	v3 =	vld.idx.msk [tilespmem:v1+s17+$0x0], $0xffff  }
0x218: {  	v1 =	vld.idx.msk [tilespmem:v1+s18+$0x0], $0xffff  }
0x219: {  	v4 =	vld.idx.msk [tilespmem:v2+s17+$0x0], $0xffff  }
0x21a: {  	v2 =	vld.idx.msk [tilespmem:v2+s18+$0x0], $0xffff  }
0x21b: {  	v62 =	vld [tilespmem:$0x2700]  }
0x21c: {  	v63 =	vld [tilespmem:$0x36A0];
	_ =	sdelay $0x2  }
0x21d: {  	v3 =	vsub.f32 v4, v3;
	v1 =	vsub.f32 v2, v1;
	_ =	sdelay $0x1  }
0x21e: {  	v2 =	vsub.f32 v63, v62;
	v3 =	vmul.f32 v3, v3;
	v1 =	vmul.f32 v1, v1;
	_ =	sdelay $0x1  }
0x21f: {  	v2 =	vmul.f32 v2, v2;
	v1 =	vadd.f32 v1, v3;
	_ =	sdelay $0x1  }
0x220: {  	v1 =	vadd.f32 v2, v1;
	_ =	sdelay $0x1  }
0x221: {  	(erf) = vrcp.f32 v1;
	_ =	sdelay $0x8  }
0x222: {  	v1 =	vpop (erf)  }
0x223: {  	v1 =	vmul.f32 $9.999999740e-05, v1;
	_ =	sdelay $0x1  }
0x224: {  	v2 =	vmul.f32 v1, v1;
	_ =	sdelay $0x1  }
0x225: {  	v1 =	vmul.f32 v2, v1;
	_ =	sdelay $0x1  }
0x226: {  	v2 =	vmul.f32 v1, v1;
	_ =	sdelay $0x1  }
0x227: {  	v1 =	vsub.f32 v2, v1;
	_ =	sdelay $0x1  }
0x228: {  	v1 =	vadd.f32 v1, v1;
	_ =	sdelay $0x1  }
0x229: {  	[tilespmem:$0x1CCE0] =	vst v1  }
0x22a: {  	[spmem:s1] =	stream.indirect.scatter.add.f32 [tilespmem:s31], [sflag:$0x5], $0x1, s3, s22, $0xb8;
	[tilespmem:$0x1F978] =	vst v63  }
0x22b: {  	_ =	swait.ge [sflag:s0], $0x7D0  }
0x22c: {  	[sflag:s0] =	ssyncset.done $0x0  }
0x22d: {  	[sflag:s0] =	ssyncadd.s32 $0xFFFFF830  }
0x22e: {  	[bflag:$0x0] =	sbarrier.arrive $0xFFFF  }
0x22f: {  	s9 =	simm.s32 $0x1D4C0;
	s10 =	rddreg [dreg:$0x5]  }
0x230: {  	[tilespmem:s9], [sflag:$0x7] =	stream.linear.gather [spmem:s10], $0xC40, $0x38;
	[tilespmem:$0x1F978] =	vst v63  }
0x231: {  	_ =	swait.ge [sflag:s16], $0xC40  }
0x232: {  	[sflag:s16] =	ssyncset.done $0x0  }
0x233: {  	s14 =	rddreg [dreg:$0xa];
	[sflag:s16] =	ssyncadd.s32 $0xFFFFF3C0  }
0x234: {  	[hbm4b:s14+s3] =	stream.linear.scatter [tilespmem:s9], [sflag:$0x7], $0xC40, $0x38;
	[tilespmem:$0x1F978] =	vst v63  }
0x235: {  	_ =	swait.ge [sflag:s16], $0xC40  }
0x236: {  	s15 =	rddreg [dreg:$0xd]  }
0x237: {  	s19 =	rddreg [dreg:$0xb];
	s8 =	sadd.s32 $0x1, s15  }
0x238: {  	p1 =	sne.s32 s8, s19  }
.Ltmp5:
0x239: {  	_ = 	snop;
	(pc) =	sbr.rel @p1 .LBB2_1-.Ltmp5, $3  }
0x23a: {  	_ =	sdelay $0x1  }
0x23b: {  	[sflag:s16] =	ssyncset.done $0x0  }
0x23c: {  	[sflag:s16] =	ssyncadd.s32 $0xFFFFF3C0  }
0x23d: {  	_ =	sfence.sel $0x180000  }
0x23e: {  	[bflag:$0x0] =	sbarrier.arrive $0xFFFF  }
0x23f: {  	_ =	strace $0x90000047  }
0x240: {  	[bflag:$0x2] =	sbarrier.arrive $0xFFFF  }
0x241: {  	s0 =	rddreg [dreg:$0x3]  }
0x242: {  	s0 =	sadd.s32 @!p0 $0x100000, s0  }
0x243: {  	[sflag:s0] =	ssyncadd.tile.s32 @!p0 $0x1;
	_ =	shalt  }
.Lfunc_end2:
_tile_overlayer_lowered:
.L_overlay_start_2:
0x244: {  	(tag) =	ssettag $0x2  }
0x245: {  	s0 =	rddreg [dreg:$0x0];
	s2 =	stileid.u32  }
0x246: {  	s1 =	rddreg [dreg:$0x1];
	p0 =	sne.s32 s2, $0x0  }
0x247: {  	s3 =	rddreg [dreg:$0x2];
	[bflag:$0x3] =	sbarrier.arrive $0xFFFF;
	s2 =	simm.s32 @!p0 $0x1C07  }
0x248: {  	[timem:s3], [sflag:s2] =	dma.local @!p0 [hbm:s0], s1  }
0x249: {  	s0 =	simm.s32 @!p0 $0x7  }
0x24a: {  	_ =	swait.ge @!p0 [sflag:s0], s1  }
0x24b: {  	s1 =	ssub.s32 @!p0 $0x0, s1;
	[sflag:s0] =	ssyncset.done @!p0 $0x0  }
0x24c: {  	[sflag:s0] =	ssyncadd.s32 @!p0 s1  }
0x24d: {  	[bflag:$0x3] =	sbarrier.arrive $0xFFFF  }
0x24e: {  	_ =	shalt  }

</sc_bundles>
